<compile_context>
chip_gen: v7x
topology: tpu7x:2x2x1
jax: 0.10.2.dev20260603
libtpu: 0.0.44.dev20260713+nightly
codegen_flags: <defaults>
</compile_context>

<pallas_src>
import functools

import jax
import jax.numpy as jnp
from jax import lax
from jax.experimental import pallas as pl
from jax.experimental.pallas import tpu as pltpu
from jax.experimental.pallas import tpu_sc as plsc

_V = 1000
_E = 16
_B = 1024
_NC = _V * _E
_BB = 32

_NCORE = 2
_NSUB = 16
_NW = _NCORE * _NSUB
_RPW = _B // _NW
_CH = 8

_SC_FIELDS = (3,)
_TC_FIELDS = (0, 1, 2)


def _tc_body(*refs):
    n = len(_TC_FIELDS)
    i_refs, r_refs, o_refs = refs[:n], refs[n:2 * n], refs[2 * n:]
    colv = lax.shift_right_logical(
        lax.broadcasted_iota(jnp.int32, (_BB, _NC), 1), 4
    )
    for i_ref, r_ref, o_ref in zip(i_refs, r_refs, o_refs):
        mask = colv == i_ref[...]
        o_ref[...] = jnp.where(mask, r_ref[1:2, :], r_ref[0:1, :])


def _tc_fill(inputs, tables):
    idx = [inp.reshape(_B, 1) for inp in inputs]
    rows = [jnp.stack([jnp.tile(t[0], _V), jnp.tile(t[1], _V)]) for t in tables]
    n = len(inputs)
    grid = (_B // _BB,)
    in_specs = (
        [pl.BlockSpec((_BB, 1), lambda i: (i, 0)) for _ in range(n)]
        + [pl.BlockSpec((2, _NC), lambda i: (0, 0)) for _ in range(n)]
    )
    out_specs = [pl.BlockSpec((_BB, _NC), lambda i: (i, 0)) for _ in range(n)]
    outs = pl.pallas_call(
        _tc_body,
        grid=grid,
        in_specs=in_specs,
        out_specs=out_specs,
        out_shape=[jax.ShapeDtypeStruct((_B, _NC), jnp.float32)] * n,
    )(*idx, *rows)
    return [o.reshape(_B, _V, _E) for o in outs]


def _sc_body(*refs):
    nf = len(_SC_FIELDS)
    idx_hbms = refs[:nf]
    tmpl_hbms = refs[nf:2 * nf]
    t1_hbms = refs[2 * nf:3 * nf]
    out_hbms = refs[3 * nf:4 * nf]
    buf_v, t1_v, idx_v, sem = refs[4 * nf:]

    wid = lax.axis_index("s") * _NCORE + lax.axis_index("c")
    base_b = wid * _RPW
    lane = lax.iota(jnp.int32, 16)

    del lane
    for f in range(nf):
        pltpu.sync_copy(tmpl_hbms[f], buf_v)
        pltpu.sync_copy(t1_hbms[f], t1_v)
        pltpu.sync_copy(idx_hbms[f].at[pl.ds(base_b, _RPW)], idx_v)

        copies = []
        for c in range(_RPW // _CH):
            dst = out_hbms[f].at[pl.ds(base_b + c * _CH, _CH)]
            copies.append(pltpu.async_copy(buf_v, dst, sem))
        for cp in copies:
            cp.wait()

        copies = []
        for h in range(_RPW // 16):
            idx_vals = idx_v[pl.ds(h * 16, 16)]
            for j in range(16):
                i = h * 16 + j
                dst = out_hbms[f].at[base_b + i, pl.ds(idx_vals[j], 1)]
                copies.append(pltpu.async_copy(t1_v, dst, sem))
        for cp in copies:
            cp.wait()


def _sc_fill(inputs, tables):
    nf = len(inputs)
    mesh = plsc.VectorSubcoreMesh(core_axis_name="c", subcore_axis_name="s")
    run = pl.kernel(
        _sc_body,
        out_type=[jax.ShapeDtypeStruct((_B, _V, _E), jnp.float32)] * nf,
        mesh=mesh,
        compiler_params=pltpu.CompilerParams(use_tc_tiling_on_sc=False),
        scratch_types=[
            pltpu.VMEM((_CH, _V, _E), jnp.float32),
            pltpu.VMEM((1, _E), jnp.float32),
            pltpu.VMEM((_RPW,), jnp.int32),
            pltpu.SemaphoreType.DMA,
        ],
    )
    tmpl = [jnp.broadcast_to(t[0], (_CH, _V, _E)) for t in tables]
    t1 = [t[1].reshape(1, _E) for t in tables]
    outs = run(*inputs, *tmpl, *t1)
    if not isinstance(outs, (list, tuple)):
        outs = [outs]
    return list(outs)


def kernel(input0, input1, input2, input3, table0, table1, table2, table3):
    inputs = (input0, input1, input2, input3)
    tables = (table0, table1, table2, table3)

    sc_outs = _sc_fill([inputs[f] for f in _SC_FIELDS],
                       [tables[f] for f in _SC_FIELDS])
    tc_outs = _tc_fill([inputs[f] for f in _TC_FIELDS],
                       [tables[f] for f in _TC_FIELDS])

    out = [None] * 4
    for pos, f in enumerate(_TC_FIELDS):
        out[f] = tc_outs[pos]
    for pos, f in enumerate(_SC_FIELDS):
        out[f] = sc_outs[pos]
    return tuple(out)

# --- scband reference (transcript-rebuilt; emitter-appended) ---
"""Pipeline reference for scband-categorical-dense-42030549958897 (READ-ONLY COPY).

The authoritative reference and input builder live on the scoring server;
editing this copy changes nothing except your own understanding.
"""

import jax, jax.numpy as jnp
import numpy as np

VOCABS = [1000, 1000, 1000, 1000]
EMBED = 16
BATCH = 1024
N_FIELDS = 4


def setup_inputs(seed: int = 0) -> dict:
    key = jax.random.key(seed)
    ks = jax.random.split(key, 2 * N_FIELDS)
    inp = {}
    for i in range(N_FIELDS):
        inp[f"input{i}"] = jax.random.randint(ks[i], (BATCH,), 0, VOCABS[i], dtype=jnp.int32)
    for i in range(N_FIELDS):
        # Keras Embedding default init: uniform(-0.05, 0.05)
        inp[f"table{i}"] = jax.random.uniform(ks[N_FIELDS + i], (VOCABS[i], EMBED), dtype=jnp.float32, minval=-0.05, maxval=0.05)
    return inp


def reference(input0, input1, input2, input3, table0, table1, table2, table3):
    # Faithful translation of CategoricalDense.call:
    # 1) one-hot each integer input to depth feature_dic[idx]
    # 2) feed the one-hot FLOAT tensor into keras Embedding, which casts it to
    #    integer indices (0/1) and gathers rows -> output [B, vocab, embed_unit]
    inputs = [input0, input1, input2, input3]
    tables = [table0, table1, table2, table3]
    outputs = []
    for inp, tab, vocab in zip(inputs, tables, VOCABS):
        oh = jax.nn.one_hot(inp, vocab, dtype=jnp.float32)  # [B, vocab]
        idx = oh.astype(jnp.int32)                          # values in {0, 1}
        outputs.append(jnp.take(tab, idx, axis=0))          # [B, vocab, EMBED]
    return tuple(outputs)

if __name__ == "__main__":
    import jax
    _d = setup_inputs()
    print(jax.jit(kernel)(*tuple(_d.values())))

</pallas_src>

<mosaic_0001>
#map = affine_map<(d0, d1) -> (0)>
#map1 = affine_map<(d0, d1) -> (0, 0, 0)>
#map2 = affine_map<(d0, d1) -> (0, 0)>
module attributes {stable_mosaic.version = 14 : i64} {
  func.func @_sc_body(%arg0: i32, %arg1: i32, %arg2: memref<1024xi32, #tpu.memory_space<hbm>>, %arg3: memref<8x1000x16xf32, #tpu.memory_space<hbm>>, %arg4: memref<1x16xf32, #tpu.memory_space<hbm>>, %arg5: memref<1024x1000x16xf32, #tpu.memory_space<hbm>>, %arg6: memref<8x1000x16xf32, #tpu.memory_space<vmem>>, %arg7: memref<1x16xf32, #tpu.memory_space<vmem>>, %arg8: memref<32xi32, #tpu.memory_space<vmem>>, %arg9: memref<!tpu.dma_semaphore, #tpu.memory_space<semaphore_mem>>) attributes {dimension_semantics = [#tpu.dimension_semantics<core_parallel>, #tpu.dimension_semantics<subcore_parallel>], iteration_bounds = array<i64: 2, 16>, scalar_prefetch = 0 : i64, scratch_operands = 4 : i64, tpu.core_type = #tpu.core_type<sc_vector_subcore>, window_params = [{transform_indices = #map}, {transform_indices = #map1}, {transform_indices = #map2}, {transform_indices = #map1}]} {
    %mul3A = arith.constant 2 : i32
    %mul3A_0 = arith.muli %arg1, %mul3A : i32
    %add3A = arith.addi %mul3A_0, %arg0 : i32
    %mul3A_1 = arith.constant 32 : i32
    %mul3A_2 = arith.muli %add3A, %mul3A_1 : i32
    %iota3A = tpu.iota {dimensions = array<i32: 0>} : vector<16xi32>
    "tpu.region"() ({
      %run_scoped3A = tpu.sem_alloc : memref<!tpu.dma_semaphore, #tpu.memory_space<semaphore_mem>>
      tpu.enqueue_dma source(%arg3 : memref<8x1000x16xf32, #tpu.memory_space<hbm>>) target(%arg6 : memref<8x1000x16xf32, #tpu.memory_space<vmem>>) target_semaphore(%run_scoped3A : memref<!tpu.dma_semaphore, #tpu.memory_space<semaphore_mem>>)
      tpu.wait_dma2 semaphore(%run_scoped3A : memref<!tpu.dma_semaphore, #tpu.memory_space<semaphore_mem>>) src(%arg3 : memref<8x1000x16xf32, #tpu.memory_space<hbm>>) dst(%arg6 : memref<8x1000x16xf32, #tpu.memory_space<vmem>>)
      tpu.yield
    }) : () -> ()
    "tpu.region"() ({
      %run_scoped3A = tpu.sem_alloc : memref<!tpu.dma_semaphore, #tpu.memory_space<semaphore_mem>>
      tpu.enqueue_dma source(%arg4 : memref<1x16xf32, #tpu.memory_space<hbm>>) target(%arg7 : memref<1x16xf32, #tpu.memory_space<vmem>>) target_semaphore(%run_scoped3A : memref<!tpu.dma_semaphore, #tpu.memory_space<semaphore_mem>>)
      tpu.wait_dma2 semaphore(%run_scoped3A : memref<!tpu.dma_semaphore, #tpu.memory_space<semaphore_mem>>) src(%arg4 : memref<1x16xf32, #tpu.memory_space<hbm>>) dst(%arg7 : memref<1x16xf32, #tpu.memory_space<vmem>>)
      tpu.yield
    }) : () -> ()
    "tpu.region"() ({
      %run_scoped3A = tpu.sem_alloc : memref<!tpu.dma_semaphore, #tpu.memory_space<semaphore_mem>>
      %dma_start3A_572 = tpu.memref_slice %arg2[%mul3A_2] : memref<1024xi32, #tpu.memory_space<hbm>> -> memref<32xi32, #tpu.memory_space<hbm>>
      %dma_start3A_573 = tpu.memref_slice %arg2[%mul3A_2] : memref<1024xi32, #tpu.memory_space<hbm>> -> memref<32xi32, #tpu.memory_space<hbm>>
      tpu.enqueue_dma source(%dma_start3A_573 : memref<32xi32, #tpu.memory_space<hbm>>) target(%arg8 : memref<32xi32, #tpu.memory_space<vmem>>) target_semaphore(%run_scoped3A : memref<!tpu.dma_semaphore, #tpu.memory_space<semaphore_mem>>)
      %dma_wait3A_574 = tpu.memref_slice %arg2[%mul3A_2] : memref<1024xi32, #tpu.memory_space<hbm>> -> memref<32xi32, #tpu.memory_space<hbm>>
      %dma_wait3A_575 = tpu.memref_slice %arg2[%mul3A_2] : memref<1024xi32, #tpu.memory_space<hbm>> -> memref<32xi32, #tpu.memory_space<hbm>>
      tpu.wait_dma2 semaphore(%run_scoped3A : memref<!tpu.dma_semaphore, #tpu.memory_space<semaphore_mem>>) src(%dma_wait3A_575 : memref<32xi32, #tpu.memory_space<hbm>>) dst(%arg8 : memref<32xi32, #tpu.memory_space<vmem>>)
      tpu.yield
    }) : () -> ()
    %add3A_3 = arith.constant 0 : i32
    %add3A_4 = arith.addi %mul3A_2, %add3A_3 : i32
    %dma_start3A = arith.constant 0 : i32
    %dma_start3A_5 = arith.constant 0 : i32
    %dma_start3A_6 = tpu.memref_slice %arg5[%add3A_4, %dma_start3A, %dma_start3A_5] : memref<1024x1000x16xf32, #tpu.memory_space<hbm>> -> memref<8x1000x16xf32, #tpu.memory_space<hbm>>
    %dma_start3A_7 = arith.constant 0 : i32
    %dma_start3A_8 = arith.constant 0 : i32
    %dma_start3A_9 = tpu.memref_slice %arg5[%add3A_4, %dma_start3A_7, %dma_start3A_8] : memref<1024x1000x16xf32, #tpu.memory_space<hbm>> -> memref<8x1000x16xf32, #tpu.memory_space<hbm>>
    tpu.enqueue_dma source(%arg6 : memref<8x1000x16xf32, #tpu.memory_space<vmem>>) target(%dma_start3A_9 : memref<8x1000x16xf32, #tpu.memory_space<hbm>>) target_semaphore(%arg9 : memref<!tpu.dma_semaphore, #tpu.memory_space<semaphore_mem>>)
    %add3A_10 = arith.constant 8 : i32
    %add3A_11 = arith.addi %mul3A_2, %add3A_10 : i32
    %dma_start3A_12 = arith.constant 0 : i32
    %dma_start3A_13 = arith.constant 0 : i32
    %dma_start3A_14 = tpu.memref_slice %arg5[%add3A_11, %dma_start3A_12, %dma_start3A_13] : memref<1024x1000x16xf32, #tpu.memory_space<hbm>> -> memref<8x1000x16xf32, #tpu.memory_space<hbm>>
    %dma_start3A_15 = arith.constant 0 : i32
    %dma_start3A_16 = arith.constant 0 : i32
    %dma_start3A_17 = tpu.memref_slice %arg5[%add3A_11, %dma_start3A_15, %dma_start3A_16] : memref<1024x1000x16xf32, #tpu.memory_space<hbm>> -> memref<8x1000x16xf32, #tpu.memory_space<hbm>>
    tpu.enqueue_dma source(%arg6 : memref<8x1000x16xf32, #tpu.memory_space<vmem>>) target(%dma_start3A_17 : memref<8x1000x16xf32, #tpu.memory_space<hbm>>) target_semaphore(%arg9 : memref<!tpu.dma_semaphore, #tpu.memory_space<semaphore_mem>>)
    %add3A_18 = arith.constant 16 : i32
    %add3A_19 = arith.addi %mul3A_2, %add3A_18 : i32
    %dma_start3A_20 = arith.constant 0 : i32
    %dma_start3A_21 = arith.constant 0 : i32
    %dma_start3A_22 = tpu.memref_slice %arg5[%add3A_19, %dma_start3A_20, %dma_start3A_21] : memref<1024x1000x16xf32, #tpu.memory_space<hbm>> -> memref<8x1000x16xf32, #tpu.memory_space<hbm>>
    %dma_start3A_23 = arith.constant 0 : i32
    %dma_start3A_24 = arith.constant 0 : i32
    %dma_start3A_25 = tpu.memref_slice %arg5[%add3A_19, %dma_start3A_23, %dma_start3A_24] : memref<1024x1000x16xf32, #tpu.memory_space<hbm>> -> memref<8x1000x16xf32, #tpu.memory_space<hbm>>
    tpu.enqueue_dma source(%arg6 : memref<8x1000x16xf32, #tpu.memory_space<vmem>>) target(%dma_start3A_25 : memref<8x1000x16xf32, #tpu.memory_space<hbm>>) target_semaphore(%arg9 : memref<!tpu.dma_semaphore, #tpu.memory_space<semaphore_mem>>)
    %add3A_26 = arith.constant 24 : i32
    %add3A_27 = arith.addi %mul3A_2, %add3A_26 : i32
    %dma_start3A_28 = arith.constant 0 : i32
    %dma_start3A_29 = arith.constant 0 : i32
    %dma_start3A_30 = tpu.memref_slice %arg5[%add3A_27, %dma_start3A_28, %dma_start3A_29] : memref<1024x1000x16xf32, #tpu.memory_space<hbm>> -> memref<8x1000x16xf32, #tpu.memory_space<hbm>>
    %dma_start3A_31 = arith.constant 0 : i32
    %dma_start3A_32 = arith.constant 0 : i32
    %dma_start3A_33 = tpu.memref_slice %arg5[%add3A_27, %dma_start3A_31, %dma_start3A_32] : memref<1024x1000x16xf32, #tpu.memory_space<hbm>> -> memref<8x1000x16xf32, #tpu.memory_space<hbm>>
    tpu.enqueue_dma source(%arg6 : memref<8x1000x16xf32, #tpu.memory_space<vmem>>) target(%dma_start3A_33 : memref<8x1000x16xf32, #tpu.memory_space<hbm>>) target_semaphore(%arg9 : memref<!tpu.dma_semaphore, #tpu.memory_space<semaphore_mem>>)
    %dma_wait3A = arith.constant 0 : i32
    %dma_wait3A_34 = arith.constant 0 : i32
    %dma_wait3A_35 = tpu.memref_slice %arg5[%add3A_4, %dma_wait3A, %dma_wait3A_34] : memref<1024x1000x16xf32, #tpu.memory_space<hbm>> -> memref<8x1000x16xf32, #tpu.memory_space<hbm>>
    %dma_wait3A_36 = arith.constant 0 : i32
    %dma_wait3A_37 = arith.constant 0 : i32
    %dma_wait3A_38 = tpu.memref_slice %arg5[%add3A_4, %dma_wait3A_36, %dma_wait3A_37] : memref<1024x1000x16xf32, #tpu.memory_space<hbm>> -> memref<8x1000x16xf32, #tpu.memory_space<hbm>>
    tpu.wait_dma2 semaphore(%arg9 : memref<!tpu.dma_semaphore, #tpu.memory_space<semaphore_mem>>) src(%arg6 : memref<8x1000x16xf32, #tpu.memory_space<vmem>>) dst(%dma_wait3A_38 : memref<8x1000x16xf32, #tpu.memory_space<hbm>>)
    %dma_wait3A_39 = arith.constant 0 : i32
    %dma_wait3A_40 = arith.constant 0 : i32
    %dma_wait3A_41 = tpu.memref_slice %arg5[%add3A_11, %dma_wait3A_39, %dma_wait3A_40] : memref<1024x1000x16xf32, #tpu.memory_space<hbm>> -> memref<8x1000x16xf32, #tpu.memory_space<hbm>>
    %dma_wait3A_42 = arith.constant 0 : i32
    %dma_wait3A_43 = arith.constant 0 : i32
    %dma_wait3A_44 = tpu.memref_slice %arg5[%add3A_11, %dma_wait3A_42, %dma_wait3A_43] : memref<1024x1000x16xf32, #tpu.memory_space<hbm>> -> memref<8x1000x16xf32, #tpu.memory_space<hbm>>
    tpu.wait_dma2 semaphore(%arg9 : memref<!tpu.dma_semaphore, #tpu.memory_space<semaphore_mem>>) src(%arg6 : memref<8x1000x16xf32, #tpu.memory_space<vmem>>) dst(%dma_wait3A_44 : memref<8x1000x16xf32, #tpu.memory_space<hbm>>)
    %dma_wait3A_45 = arith.constant 0 : i32
    %dma_wait3A_46 = arith.constant 0 : i32
    %dma_wait3A_47 = tpu.memref_slice %arg5[%add3A_19, %dma_wait3A_45, %dma_wait3A_46] : memref<1024x1000x16xf32, #tpu.memory_space<hbm>> -> memref<8x1000x16xf32, #tpu.memory_space<hbm>>
    %dma_wait3A_48 = arith.constant 0 : i32
    %dma_wait3A_49 = arith.constant 0 : i32
    %dma_wait3A_50 = tpu.memref_slice %arg5[%add3A_19, %dma_wait3A_48, %dma_wait3A_49] : memref<1024x1000x16xf32, #tpu.memory_space<hbm>> -> memref<8x1000x16xf32, #tpu.memory_space<hbm>>
    tpu.wait_dma2 semaphore(%arg9 : memref<!tpu.dma_semaphore, #tpu.memory_space<semaphore_mem>>) src(%arg6 : memref<8x1000x16xf32, #tpu.memory_space<vmem>>) dst(%dma_wait3A_50 : memref<8x1000x16xf32, #tpu.memory_space<hbm>>)
    %dma_wait3A_51 = arith.constant 0 : i32
    %dma_wait3A_52 = arith.constant 0 : i32
    %dma_wait3A_53 = tpu.memref_slice %arg5[%add3A_27, %dma_wait3A_51, %dma_wait3A_52] : memref<1024x1000x16xf32, #tpu.memory_space<hbm>> -> memref<8x1000x16xf32, #tpu.memory_space<hbm>>
    %dma_wait3A_54 = arith.constant 0 : i32
    %dma_wait3A_55 = arith.constant 0 : i32
    %dma_wait3A_56 = tpu.memref_slice %arg5[%add3A_27, %dma_wait3A_54, %dma_wait3A_55] : memref<1024x1000x16xf32, #tpu.memory_space<hbm>> -> memref<8x1000x16xf32, #tpu.memory_space<hbm>>
    tpu.wait_dma2 semaphore(%arg9 : memref<!tpu.dma_semaphore, #tpu.memory_space<semaphore_mem>>) src(%arg6 : memref<8x1000x16xf32, #tpu.memory_space<vmem>>) dst(%dma_wait3A_56 : memref<8x1000x16xf32, #tpu.memory_space<hbm>>)
    %get3A = arith.constant 0 : index
    %get3A_57 = tpu.vector_load %arg8[%get3A] {strides = array<i32>} : memref<32xi32, #tpu.memory_space<vmem>>, vector<16xi32>,
    %get3A_58 = vector.shape_cast %get3A_57 : vector<16xi32> to vector<16xi32>
    %add3A_59 = arith.constant 0 : i32
    %add3A_60 = arith.addi %mul3A_2, %add3A_59 : i32
    %slice3A = vector.extract_strided_slice %get3A_58 {offsets = [0], sizes = [1], strides = [1]} : vector<16xi32> to vector<1xi32>
    %squeeze3A = vector.extract %slice3A[0] : i32 from vector<1xi32>
    %dma_start3A_61 = arith.constant 0 : i32
    %dma_start3A_62 = tpu.memref_slice %arg5[%add3A_60, %squeeze3A, %dma_start3A_61] : memref<1024x1000x16xf32, #tpu.memory_space<hbm>> -> memref<1x1x16xf32, #tpu.memory_space<hbm>>
    %dma_start3A_63 = tpu.memref_squeeze %dma_start3A_62 : memref<1x1x16xf32, #tpu.memory_space<hbm>> -> memref<1x16xf32, #tpu.memory_space<hbm>>
    %dma_start3A_64 = arith.constant 0 : i32
    %dma_start3A_65 = tpu.memref_slice %arg5[%add3A_60, %squeeze3A, %dma_start3A_64] : memref<1024x1000x16xf32, #tpu.memory_space<hbm>> -> memref<1x1x16xf32, #tpu.memory_space<hbm>>
    %dma_start3A_66 = tpu.memref_squeeze %dma_start3A_65 : memref<1x1x16xf32, #tpu.memory_space<hbm>> -> memref<1x16xf32, #tpu.memory_space<hbm>>
    tpu.enqueue_dma source(%arg7 : memref<1x16xf32, #tpu.memory_space<vmem>>) target(%dma_start3A_66 : memref<1x16xf32, #tpu.memory_space<hbm>>) target_semaphore(%arg9 : memref<!tpu.dma_semaphore, #tpu.memory_space<semaphore_mem>>)
    %add3A_67 = arith.constant 1 : i32
    %add3A_68 = arith.addi %mul3A_2, %add3A_67 : i32
    %slice3A_69 = vector.extract_strided_slice %get3A_58 {offsets = [1], sizes = [1], strides = [1]} : vector<16xi32> to vector<1xi32>
    %squeeze3A_70 = vector.extract %slice3A_69[0] : i32 from vector<1xi32>
    %dma_start3A_71 = arith.constant 0 : i32
    %dma_start3A_72 = tpu.memref_slice %arg5[%add3A_68, %squeeze3A_70, %dma_start3A_71] : memref<1024x1000x16xf32, #tpu.memory_space<hbm>> -> memref<1x1x16xf32, #tpu.memory_space<hbm>>
    %dma_start3A_73 = tpu.memref_squeeze %dma_start3A_72 : memref<1x1x16xf32, #tpu.memory_space<hbm>> -> memref<1x16xf32, #tpu.memory_space<hbm>>
    %dma_start3A_74 = arith.constant 0 : i32
    %dma_start3A_75 = tpu.memref_slice %arg5[%add3A_68, %squeeze3A_70, %dma_start3A_74] : memref<1024x1000x16xf32, #tpu.memory_space<hbm>> -> memref<1x1x16xf32, #tpu.memory_space<hbm>>
    %dma_start3A_76 = tpu.memref_squeeze %dma_start3A_75 : memref<1x1x16xf32, #tpu.memory_space<hbm>> -> memref<1x16xf32, #tpu.memory_space<hbm>>
    tpu.enqueue_dma source(%arg7 : memref<1x16xf32, #tpu.memory_space<vmem>>) target(%dma_start3A_76 : memref<1x16xf32, #tpu.memory_space<hbm>>) target_semaphore(%arg9 : memref<!tpu.dma_semaphore, #tpu.memory_space<semaphore_mem>>)
    %add3A_77 = arith.constant 2 : i32
    %add3A_78 = arith.addi %mul3A_2, %add3A_77 : i32
    %slice3A_79 = vector.extract_strided_slice %get3A_58 {offsets = [2], sizes = [1], strides = [1]} : vector<16xi32> to vector<1xi32>
    %squeeze3A_80 = vector.extract %slice3A_79[0] : i32 from vector<1xi32>
    %dma_start3A_81 = arith.constant 0 : i32
    %dma_start3A_82 = tpu.memref_slice %arg5[%add3A_78, %squeeze3A_80, %dma_start3A_81] : memref<1024x1000x16xf32, #tpu.memory_space<hbm>> -> memref<1x1x16xf32, #tpu.memory_space<hbm>>
    %dma_start3A_83 = tpu.memref_squeeze %dma_start3A_82 : memref<1x1x16xf32, #tpu.memory_space<hbm>> -> memref<1x16xf32, #tpu.memory_space<hbm>>
    %dma_start3A_84 = arith.constant 0 : i32
    %dma_start3A_85 = tpu.memref_slice %arg5[%add3A_78, %squeeze3A_80, %dma_start3A_84] : memref<1024x1000x16xf32, #tpu.memory_space<hbm>> -> memref<1x1x16xf32, #tpu.memory_space<hbm>>
    %dma_start3A_86 = tpu.memref_squeeze %dma_start3A_85 : memref<1x1x16xf32, #tpu.memory_space<hbm>> -> memref<1x16xf32, #tpu.memory_space<hbm>>
    tpu.enqueue_dma source(%arg7 : memref<1x16xf32, #tpu.memory_space<vmem>>) target(%dma_start3A_86 : memref<1x16xf32, #tpu.memory_space<hbm>>) target_semaphore(%arg9 : memref<!tpu.dma_semaphore, #tpu.memory_space<semaphore_mem>>)
    %add3A_87 = arith.constant 3 : i32
    %add3A_88 = arith.addi %mul3A_2, %add3A_87 : i32
    %slice3A_89 = vector.extract_strided_slice %get3A_58 {offsets = [3], sizes = [1], strides = [1]} : vector<16xi32> to vector<1xi32>
    %squeeze3A_90 = vector.extract %slice3A_89[0] : i32 from vector<1xi32>
    %dma_start3A_91 = arith.constant 0 : i32
    %dma_start3A_92 = tpu.memref_slice %arg5[%add3A_88, %squeeze3A_90, %dma_start3A_91] : memref<1024x1000x16xf32, #tpu.memory_space<hbm>> -> memref<1x1x16xf32, #tpu.memory_space<hbm>>
    %dma_start3A_93 = tpu.memref_squeeze %dma_start3A_92 : memref<1x1x16xf32, #tpu.memory_space<hbm>> -> memref<1x16xf32, #tpu.memory_space<hbm>>
    %dma_start3A_94 = arith.constant 0 : i32
    %dma_start3A_95 = tpu.memref_slice %arg5[%add3A_88, %squeeze3A_90, %dma_start3A_94] : memref<1024x1000x16xf32, #tpu.memory_space<hbm>> -> memref<1x1x16xf32, #tpu.memory_space<hbm>>
    %dma_start3A_96 = tpu.memref_squeeze %dma_start3A_95 : memref<1x1x16xf32, #tpu.memory_space<hbm>> -> memref<1x16xf32, #tpu.memory_space<hbm>>
    tpu.enqueue_dma source(%arg7 : memref<1x16xf32, #tpu.memory_space<vmem>>) target(%dma_start3A_96 : memref<1x16xf32, #tpu.memory_space<hbm>>) target_semaphore(%arg9 : memref<!tpu.dma_semaphore, #tpu.memory_space<semaphore_mem>>)
    %add3A_97 = arith.constant 4 : i32
    %add3A_98 = arith.addi %mul3A_2, %add3A_97 : i32
    %slice3A_99 = vector.extract_strided_slice %get3A_58 {offsets = [4], sizes = [1], strides = [1]} : vector<16xi32> to vector<1xi32>
    %squeeze3A_100 = vector.extract %slice3A_99[0] : i32 from vector<1xi32>
    %dma_start3A_101 = arith.constant 0 : i32
    %dma_start3A_102 = tpu.memref_slice %arg5[%add3A_98, %squeeze3A_100, %dma_start3A_101] : memref<1024x1000x16xf32, #tpu.memory_space<hbm>> -> memref<1x1x16xf32, #tpu.memory_space<hbm>>
    %dma_start3A_103 = tpu.memref_squeeze %dma_start3A_102 : memref<1x1x16xf32, #tpu.memory_space<hbm>> -> memref<1x16xf32, #tpu.memory_space<hbm>>
    %dma_start3A_104 = arith.constant 0 : i32
    %dma_start3A_105 = tpu.memref_slice %arg5[%add3A_98, %squeeze3A_100, %dma_start3A_104] : memref<1024x1000x16xf32, #tpu.memory_space<hbm>> -> memref<1x1x16xf32, #tpu.memory_space<hbm>>
    %dma_start3A_106 = tpu.memref_squeeze %dma_start3A_105 : memref<1x1x16xf32, #tpu.memory_space<hbm>> -> memref<1x16xf32, #tpu.memory_space<hbm>>
    tpu.enqueue_dma source(%arg7 : memref<1x16xf32, #tpu.memory_space<vmem>>) target(%dma_start3A_106 : memref<1x16xf32, #tpu.memory_space<hbm>>) target_semaphore(%arg9 : memref<!tpu.dma_semaphore, #tpu.memory_space<semaphore_mem>>)
    %add3A_107 = arith.constant 5 : i32
    %add3A_108 = arith.addi %mul3A_2, %add3A_107 : i32
    %slice3A_109 = vector.extract_strided_slice %get3A_58 {offsets = [5], sizes = [1], strides = [1]} : vector<16xi32> to vector<1xi32>
    %squeeze3A_110 = vector.extract %slice3A_109[0] : i32 from vector<1xi32>
    %dma_start3A_111 = arith.constant 0 : i32
    %dma_start3A_112 = tpu.memref_slice %arg5[%add3A_108, %squeeze3A_110, %dma_start3A_111] : memref<1024x1000x16xf32, #tpu.memory_space<hbm>> -> memref<1x1x16xf32, #tpu.memory_space<hbm>>
    %dma_start3A_113 = tpu.memref_squeeze %dma_start3A_112 : memref<1x1x16xf32, #tpu.memory_space<hbm>> -> memref<1x16xf32, #tpu.memory_space<hbm>>
    %dma_start3A_114 = arith.constant 0 : i32
    %dma_start3A_115 = tpu.memref_slice %arg5[%add3A_108, %squeeze3A_110, %dma_start3A_114] : memref<1024x1000x16xf32, #tpu.memory_space<hbm>> -> memref<1x1x16xf32, #tpu.memory_space<hbm>>
    %dma_start3A_116 = tpu.memref_squeeze %dma_start3A_115 : memref<1x1x16xf32, #tpu.memory_space<hbm>> -> memref<1x16xf32, #tpu.memory_space<hbm>>
    tpu.enqueue_dma source(%arg7 : memref<1x16xf32, #tpu.memory_space<vmem>>) target(%dma_start3A_116 : memref<1x16xf32, #tpu.memory_space<hbm>>) target_semaphore(%arg9 : memref<!tpu.dma_semaphore, #tpu.memory_space<semaphore_mem>>)
    %add3A_117 = arith.constant 6 : i32
    %add3A_118 = arith.addi %mul3A_2, %add3A_117 : i32
    %slice3A_119 = vector.extract_strided_slice %get3A_58 {offsets = [6], sizes = [1], strides = [1]} : vector<16xi32> to vector<1xi32>
    %squeeze3A_120 = vector.extract %slice3A_119[0] : i32 from vector<1xi32>
    %dma_start3A_121 = arith.constant 0 : i32
    %dma_start3A_122 = tpu.memref_slice %arg5[%add3A_118, %squeeze3A_120, %dma_start3A_121] : memref<1024x1000x16xf32, #tpu.memory_space<hbm>> -> memref<1x1x16xf32, #tpu.memory_space<hbm>>
    %dma_start3A_123 = tpu.memref_squeeze %dma_start3A_122 : memref<1x1x16xf32, #tpu.memory_space<hbm>> -> memref<1x16xf32, #tpu.memory_space<hbm>>
    %dma_start3A_124 = arith.constant 0 : i32
    %dma_start3A_125 = tpu.memref_slice %arg5[%add3A_118, %squeeze3A_120, %dma_start3A_124] : memref<1024x1000x16xf32, #tpu.memory_space<hbm>> -> memref<1x1x16xf32, #tpu.memory_space<hbm>>
    %dma_start3A_126 = tpu.memref_squeeze %dma_start3A_125 : memref<1x1x16xf32, #tpu.memory_space<hbm>> -> memref<1x16xf32, #tpu.memory_space<hbm>>
    tpu.enqueue_dma source(%arg7 : memref<1x16xf32, #tpu.memory_space<vmem>>) target(%dma_start3A_126 : memref<1x16xf32, #tpu.memory_space<hbm>>) target_semaphore(%arg9 : memref<!tpu.dma_semaphore, #tpu.memory_space<semaphore_mem>>)
    %add3A_127 = arith.constant 7 : i32
    %add3A_128 = arith.addi %mul3A_2, %add3A_127 : i32
    %slice3A_129 = vector.extract_strided_slice %get3A_58 {offsets = [7], sizes = [1], strides = [1]} : vector<16xi32> to vector<1xi32>
    %squeeze3A_130 = vector.extract %slice3A_129[0] : i32 from vector<1xi32>
    %dma_start3A_131 = arith.constant 0 : i32
    %dma_start3A_132 = tpu.memref_slice %arg5[%add3A_128, %squeeze3A_130, %dma_start3A_131] : memref<1024x1000x16xf32, #tpu.memory_space<hbm>> -> memref<1x1x16xf32, #tpu.memory_space<hbm>>
    %dma_start3A_133 = tpu.memref_squeeze %dma_start3A_132 : memref<1x1x16xf32, #tpu.memory_space<hbm>> -> memref<1x16xf32, #tpu.memory_space<hbm>>
    %dma_start3A_134 = arith.constant 0 : i32
    %dma_start3A_135 = tpu.memref_slice %arg5[%add3A_128, %squeeze3A_130, %dma_start3A_134] : memref<1024x1000x16xf32, #tpu.memory_space<hbm>> -> memref<1x1x16xf32, #tpu.memory_space<hbm>>
    %dma_start3A_136 = tpu.memref_squeeze %dma_start3A_135 : memref<1x1x16xf32, #tpu.memory_space<hbm>> -> memref<1x16xf32, #tpu.memory_space<hbm>>
    tpu.enqueue_dma source(%arg7 : memref<1x16xf32, #tpu.memory_space<vmem>>) target(%dma_start3A_136 : memref<1x16xf32, #tpu.memory_space<hbm>>) target_semaphore(%arg9 : memref<!tpu.dma_semaphore, #tpu.memory_space<semaphore_mem>>)
    %add3A_137 = arith.constant 8 : i32
    %add3A_138 = arith.addi %mul3A_2, %add3A_137 : i32
    %slice3A_139 = vector.extract_strided_slice %get3A_58 {offsets = [8], sizes = [1], strides = [1]} : vector<16xi32> to vector<1xi32>
    %squeeze3A_140 = vector.extract %slice3A_139[0] : i32 from vector<1xi32>
    %dma_start3A_141 = arith.constant 0 : i32
    %dma_start3A_142 = tpu.memref_slice %arg5[%add3A_138, %squeeze3A_140, %dma_start3A_141] : memref<1024x1000x16xf32, #tpu.memory_space<hbm>> -> memref<1x1x16xf32, #tpu.memory_space<hbm>>
    %dma_start3A_143 = tpu.memref_squeeze %dma_start3A_142 : memref<1x1x16xf32, #tpu.memory_space<hbm>> -> memref<1x16xf32, #tpu.memory_space<hbm>>
    %dma_start3A_144 = arith.constant 0 : i32
    %dma_start3A_145 = tpu.memref_slice %arg5[%add3A_138, %squeeze3A_140, %dma_start3A_144] : memref<1024x1000x16xf32, #tpu.memory_space<hbm>> -> memref<1x1x16xf32, #tpu.memory_space<hbm>>
    %dma_start3A_146 = tpu.memref_squeeze %dma_start3A_145 : memref<1x1x16xf32, #tpu.memory_space<hbm>> -> memref<1x16xf32, #tpu.memory_space<hbm>>
    tpu.enqueue_dma source(%arg7 : memref<1x16xf32, #tpu.memory_space<vmem>>) target(%dma_start3A_146 : memref<1x16xf32, #tpu.memory_space<hbm>>) target_semaphore(%arg9 : memref<!tpu.dma_semaphore, #tpu.memory_space<semaphore_mem>>)
    %add3A_147 = arith.constant 9 : i32
    %add3A_148 = arith.addi %mul3A_2, %add3A_147 : i32
    %slice3A_149 = vector.extract_strided_slice %get3A_58 {offsets = [9], sizes = [1], strides = [1]} : vector<16xi32> to vector<1xi32>
    %squeeze3A_150 = vector.extract %slice3A_149[0] : i32 from vector<1xi32>
    %dma_start3A_151 = arith.constant 0 : i32
    %dma_start3A_152 = tpu.memref_slice %arg5[%add3A_148, %squeeze3A_150, %dma_start3A_151] : memref<1024x1000x16xf32, #tpu.memory_space<hbm>> -> memref<1x1x16xf32, #tpu.memory_space<hbm>>
    %dma_start3A_153 = tpu.memref_squeeze %dma_start3A_152 : memref<1x1x16xf32, #tpu.memory_space<hbm>> -> memref<1x16xf32, #tpu.memory_space<hbm>>
    %dma_start3A_154 = arith.constant 0 : i32
    %dma_start3A_155 = tpu.memref_slice %arg5[%add3A_148, %squeeze3A_150, %dma_start3A_154] : memref<1024x1000x16xf32, #tpu.memory_space<hbm>> -> memref<1x1x16xf32, #tpu.memory_space<hbm>>
    %dma_start3A_156 = tpu.memref_squeeze %dma_start3A_155 : memref<1x1x16xf32, #tpu.memory_space<hbm>> -> memref<1x16xf32, #tpu.memory_space<hbm>>
    tpu.enqueue_dma source(%arg7 : memref<1x16xf32, #tpu.memory_space<vmem>>) target(%dma_start3A_156 : memref<1x16xf32, #tpu.memory_space<hbm>>) target_semaphore(%arg9 : memref<!tpu.dma_semaphore, #tpu.memory_space<semaphore_mem>>)
    %add3A_157 = arith.constant 10 : i32
    %add3A_158 = arith.addi %mul3A_2, %add3A_157 : i32
    %slice3A_159 = vector.extract_strided_slice %get3A_58 {offsets = [10], sizes = [1], strides = [1]} : vector<16xi32> to vector<1xi32>
    %squeeze3A_160 = vector.extract %slice3A_159[0] : i32 from vector<1xi32>
    %dma_start3A_161 = arith.constant 0 : i32
    %dma_start3A_162 = tpu.memref_slice %arg5[%add3A_158, %squeeze3A_160, %dma_start3A_161] : memref<1024x1000x16xf32, #tpu.memory_space<hbm>> -> memref<1x1x16xf32, #tpu.memory_space<hbm>>
    %dma_start3A_163 = tpu.memref_squeeze %dma_start3A_162 : memref<1x1x16xf32, #tpu.memory_space<hbm>> -> memref<1x16xf32, #tpu.memory_space<hbm>>
    %dma_start3A_164 = arith.constant 0 : i32
    %dma_start3A_165 = tpu.memref_slice %arg5[%add3A_158, %squeeze3A_160, %dma_start3A_164] : memref<1024x1000x16xf32, #tpu.memory_space<hbm>> -> memref<1x1x16xf32, #tpu.memory_space<hbm>>
    %dma_start3A_166 = tpu.memref_squeeze %dma_start3A_165 : memref<1x1x16xf32, #tpu.memory_space<hbm>> -> memref<1x16xf32, #tpu.memory_space<hbm>>
    tpu.enqueue_dma source(%arg7 : memref<1x16xf32, #tpu.memory_space<vmem>>) target(%dma_start3A_166 : memref<1x16xf32, #tpu.memory_space<hbm>>) target_semaphore(%arg9 : memref<!tpu.dma_semaphore, #tpu.memory_space<semaphore_mem>>)
    %add3A_167 = arith.constant 11 : i32
    %add3A_168 = arith.addi %mul3A_2, %add3A_167 : i32
    %slice3A_169 = vector.extract_strided_slice %get3A_58 {offsets = [11], sizes = [1], strides = [1]} : vector<16xi32> to vector<1xi32>
    %squeeze3A_170 = vector.extract %slice3A_169[0] : i32 from vector<1xi32>
    %dma_start3A_171 = arith.constant 0 : i32
    %dma_start3A_172 = tpu.memref_slice %arg5[%add3A_168, %squeeze3A_170, %dma_start3A_171] : memref<1024x1000x16xf32, #tpu.memory_space<hbm>> -> memref<1x1x16xf32, #tpu.memory_space<hbm>>
    %dma_start3A_173 = tpu.memref_squeeze %dma_start3A_172 : memref<1x1x16xf32, #tpu.memory_space<hbm>> -> memref<1x16xf32, #tpu.memory_space<hbm>>
    %dma_start3A_174 = arith.constant 0 : i32
    %dma_start3A_175 = tpu.memref_slice %arg5[%add3A_168, %squeeze3A_170, %dma_start3A_174] : memref<1024x1000x16xf32, #tpu.memory_space<hbm>> -> memref<1x1x16xf32, #tpu.memory_space<hbm>>
    %dma_start3A_176 = tpu.memref_squeeze %dma_start3A_175 : memref<1x1x16xf32, #tpu.memory_space<hbm>> -> memref<1x16xf32, #tpu.memory_space<hbm>>
    tpu.enqueue_dma source(%arg7 : memref<1x16xf32, #tpu.memory_space<vmem>>) target(%dma_start3A_176 : memref<1x16xf32, #tpu.memory_space<hbm>>) target_semaphore(%arg9 : memref<!tpu.dma_semaphore, #tpu.memory_space<semaphore_mem>>)
    %add3A_177 = arith.constant 12 : i32
    %add3A_178 = arith.addi %mul3A_2, %add3A_177 : i32
    %slice3A_179 = vector.extract_strided_slice %get3A_58 {offsets = [12], sizes = [1], strides = [1]} : vector<16xi32> to vector<1xi32>
    %squeeze3A_180 = vector.extract %slice3A_179[0] : i32 from vector<1xi32>
    %dma_start3A_181 = arith.constant 0 : i32
    %dma_start3A_182 = tpu.memref_slice %arg5[%add3A_178, %squeeze3A_180, %dma_start3A_181] : memref<1024x1000x16xf32, #tpu.memory_space<hbm>> -> memref<1x1x16xf32, #tpu.memory_space<hbm>>
    %dma_start3A_183 = tpu.memref_squeeze %dma_start3A_182 : memref<1x1x16xf32, #tpu.memory_space<hbm>> -> memref<1x16xf32, #tpu.memory_space<hbm>>
    %dma_start3A_184 = arith.constant 0 : i32
    %dma_start3A_185 = tpu.memref_slice %arg5[%add3A_178, %squeeze3A_180, %dma_start3A_184] : memref<1024x1000x16xf32, #tpu.memory_space<hbm>> -> memref<1x1x16xf32, #tpu.memory_space<hbm>>
    %dma_start3A_186 = tpu.memref_squeeze %dma_start3A_185 : memref<1x1x16xf32, #tpu.memory_space<hbm>> -> memref<1x16xf32, #tpu.memory_space<hbm>>
    tpu.enqueue_dma source(%arg7 : memref<1x16xf32, #tpu.memory_space<vmem>>) target(%dma_start3A_186 : memref<1x16xf32, #tpu.memory_space<hbm>>) target_semaphore(%arg9 : memref<!tpu.dma_semaphore, #tpu.memory_space<semaphore_mem>>)
    %add3A_187 = arith.constant 13 : i32
    %add3A_188 = arith.addi %mul3A_2, %add3A_187 : i32
    %slice3A_189 = vector.extract_strided_slice %get3A_58 {offsets = [13], sizes = [1], strides = [1]} : vector<16xi32> to vector<1xi32>
    %squeeze3A_190 = vector.extract %slice3A_189[0] : i32 from vector<1xi32>
    %dma_start3A_191 = arith.constant 0 : i32
    %dma_start3A_192 = tpu.memref_slice %arg5[%add3A_188, %squeeze3A_190, %dma_start3A_191] : memref<1024x1000x16xf32, #tpu.memory_space<hbm>> -> memref<1x1x16xf32, #tpu.memory_space<hbm>>
    %dma_start3A_193 = tpu.memref_squeeze %dma_start3A_192 : memref<1x1x16xf32, #tpu.memory_space<hbm>> -> memref<1x16xf32, #tpu.memory_space<hbm>>
    %dma_start3A_194 = arith.constant 0 : i32
    %dma_start3A_195 = tpu.memref_slice %arg5[%add3A_188, %squeeze3A_190, %dma_start3A_194] : memref<1024x1000x16xf32, #tpu.memory_space<hbm>> -> memref<1x1x16xf32, #tpu.memory_space<hbm>>
    %dma_start3A_196 = tpu.memref_squeeze %dma_start3A_195 : memref<1x1x16xf32, #tpu.memory_space<hbm>> -> memref<1x16xf32, #tpu.memory_space<hbm>>
    tpu.enqueue_dma source(%arg7 : memref<1x16xf32, #tpu.memory_space<vmem>>) target(%dma_start3A_196 : memref<1x16xf32, #tpu.memory_space<hbm>>) target_semaphore(%arg9 : memref<!tpu.dma_semaphore, #tpu.memory_space<semaphore_mem>>)
    %add3A_197 = arith.constant 14 : i32
    %add3A_198 = arith.addi %mul3A_2, %add3A_197 : i32
    %slice3A_199 = vector.extract_strided_slice %get3A_58 {offsets = [14], sizes = [1], strides = [1]} : vector<16xi32> to vector<1xi32>
    %squeeze3A_200 = vector.extract %slice3A_199[0] : i32 from vector<1xi32>
    %dma_start3A_201 = arith.constant 0 : i32
    %dma_start3A_202 = tpu.memref_slice %arg5[%add3A_198, %squeeze3A_200, %dma_start3A_201] : memref<1024x1000x16xf32, #tpu.memory_space<hbm>> -> memref<1x1x16xf32, #tpu.memory_space<hbm>>
    %dma_start3A_203 = tpu.memref_squeeze %dma_start3A_202 : memref<1x1x16xf32, #tpu.memory_space<hbm>> -> memref<1x16xf32, #tpu.memory_space<hbm>>
    %dma_start3A_204 = arith.constant 0 : i32
    %dma_start3A_205 = tpu.memref_slice %arg5[%add3A_198, %squeeze3A_200, %dma_start3A_204] : memref<1024x1000x16xf32, #tpu.memory_space<hbm>> -> memref<1x1x16xf32, #tpu.memory_space<hbm>>
    %dma_start3A_206 = tpu.memref_squeeze %dma_start3A_205 : memref<1x1x16xf32, #tpu.memory_space<hbm>> -> memref<1x16xf32, #tpu.memory_space<hbm>>
    tpu.enqueue_dma source(%arg7 : memref<1x16xf32, #tpu.memory_space<vmem>>) target(%dma_start3A_206 : memref<1x16xf32, #tpu.memory_space<hbm>>) target_semaphore(%arg9 : memref<!tpu.dma_semaphore, #tpu.memory_space<semaphore_mem>>)
    %add3A_207 = arith.constant 15 : i32
    %add3A_208 = arith.addi %mul3A_2, %add3A_207 : i32
    %slice3A_209 = vector.extract_strided_slice %get3A_58 {offsets = [15], sizes = [1], strides = [1]} : vector<16xi32> to vector<1xi32>
    %squeeze3A_210 = vector.extract %slice3A_209[0] : i32 from vector<1xi32>
    %dma_start3A_211 = arith.constant 0 : i32
    %dma_start3A_212 = tpu.memref_slice %arg5[%add3A_208, %squeeze3A_210, %dma_start3A_211] : memref<1024x1000x16xf32, #tpu.memory_space<hbm>> -> memref<1x1x16xf32, #tpu.memory_space<hbm>>
    %dma_start3A_213 = tpu.memref_squeeze %dma_start3A_212 : memref<1x1x16xf32, #tpu.memory_space<hbm>> -> memref<1x16xf32, #tpu.memory_space<hbm>>
    %dma_start3A_214 = arith.constant 0 : i32
    %dma_start3A_215 = tpu.memref_slice %arg5[%add3A_208, %squeeze3A_210, %dma_start3A_214] : memref<1024x1000x16xf32, #tpu.memory_space<hbm>> -> memref<1x1x16xf32, #tpu.memory_space<hbm>>
    %dma_start3A_216 = tpu.memref_squeeze %dma_start3A_215 : memref<1x1x16xf32, #tpu.memory_space<hbm>> -> memref<1x16xf32, #tpu.memory_space<hbm>>
    tpu.enqueue_dma source(%arg7 : memref<1x16xf32, #tpu.memory_space<vmem>>) target(%dma_start3A_216 : memref<1x16xf32, #tpu.memory_space<hbm>>) target_semaphore(%arg9 : memref<!tpu.dma_semaphore, #tpu.memory_space<semaphore_mem>>)
    %get3A_217 = arith.constant 16 : index
    %get3A_218 = tpu.vector_load %arg8[%get3A_217] {strides = array<i32>} : memref<32xi32, #tpu.memory_space<vmem>>, vector<16xi32>,
    %get3A_219 = vector.shape_cast %get3A_218 : vector<16xi32> to vector<16xi32>
    %add3A_220 = arith.constant 16 : i32
    %add3A_221 = arith.addi %mul3A_2, %add3A_220 : i32
    %slice3A_222 = vector.extract_strided_slice %get3A_219 {offsets = [0], sizes = [1], strides = [1]} : vector<16xi32> to vector<1xi32>
    %squeeze3A_223 = vector.extract %slice3A_222[0] : i32 from vector<1xi32>
    %dma_start3A_224 = arith.constant 0 : i32
    %dma_start3A_225 = tpu.memref_slice %arg5[%add3A_221, %squeeze3A_223, %dma_start3A_224] : memref<1024x1000x16xf32, #tpu.memory_space<hbm>> -> memref<1x1x16xf32, #tpu.memory_space<hbm>>
    %dma_start3A_226 = tpu.memref_squeeze %dma_start3A_225 : memref<1x1x16xf32, #tpu.memory_space<hbm>> -> memref<1x16xf32, #tpu.memory_space<hbm>>
    %dma_start3A_227 = arith.constant 0 : i32
    %dma_start3A_228 = tpu.memref_slice %arg5[%add3A_221, %squeeze3A_223, %dma_start3A_227] : memref<1024x1000x16xf32, #tpu.memory_space<hbm>> -> memref<1x1x16xf32, #tpu.memory_space<hbm>>
    %dma_start3A_229 = tpu.memref_squeeze %dma_start3A_228 : memref<1x1x16xf32, #tpu.memory_space<hbm>> -> memref<1x16xf32, #tpu.memory_space<hbm>>
    tpu.enqueue_dma source(%arg7 : memref<1x16xf32, #tpu.memory_space<vmem>>) target(%dma_start3A_229 : memref<1x16xf32, #tpu.memory_space<hbm>>) target_semaphore(%arg9 : memref<!tpu.dma_semaphore, #tpu.memory_space<semaphore_mem>>)
    %add3A_230 = arith.constant 17 : i32
    %add3A_231 = arith.addi %mul3A_2, %add3A_230 : i32
    %slice3A_232 = vector.extract_strided_slice %get3A_219 {offsets = [1], sizes = [1], strides = [1]} : vector<16xi32> to vector<1xi32>
    %squeeze3A_233 = vector.extract %slice3A_232[0] : i32 from vector<1xi32>
    %dma_start3A_234 = arith.constant 0 : i32
    %dma_start3A_235 = tpu.memref_slice %arg5[%add3A_231, %squeeze3A_233, %dma_start3A_234] : memref<1024x1000x16xf32, #tpu.memory_space<hbm>> -> memref<1x1x16xf32, #tpu.memory_space<hbm>>
    %dma_start3A_236 = tpu.memref_squeeze %dma_start3A_235 : memref<1x1x16xf32, #tpu.memory_space<hbm>> -> memref<1x16xf32, #tpu.memory_space<hbm>>
    %dma_start3A_237 = arith.constant 0 : i32
    %dma_start3A_238 = tpu.memref_slice %arg5[%add3A_231, %squeeze3A_233, %dma_start3A_237] : memref<1024x1000x16xf32, #tpu.memory_space<hbm>> -> memref<1x1x16xf32, #tpu.memory_space<hbm>>
    %dma_start3A_239 = tpu.memref_squeeze %dma_start3A_238 : memref<1x1x16xf32, #tpu.memory_space<hbm>> -> memref<1x16xf32, #tpu.memory_space<hbm>>
    tpu.enqueue_dma source(%arg7 : memref<1x16xf32, #tpu.memory_space<vmem>>) target(%dma_start3A_239 : memref<1x16xf32, #tpu.memory_space<hbm>>) target_semaphore(%arg9 : memref<!tpu.dma_semaphore, #tpu.memory_space<semaphore_mem>>)
    %add3A_240 = arith.constant 18 : i32
    %add3A_241 = arith.addi %mul3A_2, %add3A_240 : i32
    %slice3A_242 = vector.extract_strided_slice %get3A_219 {offsets = [2], sizes = [1], strides = [1]} : vector<16xi32> to vector<1xi32>
    %squeeze3A_243 = vector.extract %slice3A_242[0] : i32 from vector<1xi32>
    %dma_start3A_244 = arith.constant 0 : i32
    %dma_start3A_245 = tpu.memref_slice %arg5[%add3A_241, %squeeze3A_243, %dma_start3A_244] : memref<1024x1000x16xf32, #tpu.memory_space<hbm>> -> memref<1x1x16xf32, #tpu.memory_space<hbm>>
    %dma_start3A_246 = tpu.memref_squeeze %dma_start3A_245 : memref<1x1x16xf32, #tpu.memory_space<hbm>> -> memref<1x16xf32, #tpu.memory_space<hbm>>
    %dma_start3A_247 = arith.constant 0 : i32
    %dma_start3A_248 = tpu.memref_slice %arg5[%add3A_241, %squeeze3A_243, %dma_start3A_247] : memref<1024x1000x16xf32, #tpu.memory_space<hbm>> -> memref<1x1x16xf32, #tpu.memory_space<hbm>>
    %dma_start3A_249 = tpu.memref_squeeze %dma_start3A_248 : memref<1x1x16xf32, #tpu.memory_space<hbm>> -> memref<1x16xf32, #tpu.memory_space<hbm>>
    tpu.enqueue_dma source(%arg7 : memref<1x16xf32, #tpu.memory_space<vmem>>) target(%dma_start3A_249 : memref<1x16xf32, #tpu.memory_space<hbm>>) target_semaphore(%arg9 : memref<!tpu.dma_semaphore, #tpu.memory_space<semaphore_mem>>)
    %add3A_250 = arith.constant 19 : i32
    %add3A_251 = arith.addi %mul3A_2, %add3A_250 : i32
    %slice3A_252 = vector.extract_strided_slice %get3A_219 {offsets = [3], sizes = [1], strides = [1]} : vector<16xi32> to vector<1xi32>
    %squeeze3A_253 = vector.extract %slice3A_252[0] : i32 from vector<1xi32>
    %dma_start3A_254 = arith.constant 0 : i32
    %dma_start3A_255 = tpu.memref_slice %arg5[%add3A_251, %squeeze3A_253, %dma_start3A_254] : memref<1024x1000x16xf32, #tpu.memory_space<hbm>> -> memref<1x1x16xf32, #tpu.memory_space<hbm>>
    %dma_start3A_256 = tpu.memref_squeeze %dma_start3A_255 : memref<1x1x16xf32, #tpu.memory_space<hbm>> -> memref<1x16xf32, #tpu.memory_space<hbm>>
    %dma_start3A_257 = arith.constant 0 : i32
    %dma_start3A_258 = tpu.memref_slice %arg5[%add3A_251, %squeeze3A_253, %dma_start3A_257] : memref<1024x1000x16xf32, #tpu.memory_space<hbm>> -> memref<1x1x16xf32, #tpu.memory_space<hbm>>
    %dma_start3A_259 = tpu.memref_squeeze %dma_start3A_258 : memref<1x1x16xf32, #tpu.memory_space<hbm>> -> memref<1x16xf32, #tpu.memory_space<hbm>>
    tpu.enqueue_dma source(%arg7 : memref<1x16xf32, #tpu.memory_space<vmem>>) target(%dma_start3A_259 : memref<1x16xf32, #tpu.memory_space<hbm>>) target_semaphore(%arg9 : memref<!tpu.dma_semaphore, #tpu.memory_space<semaphore_mem>>)
    %add3A_260 = arith.constant 20 : i32
    %add3A_261 = arith.addi %mul3A_2, %add3A_260 : i32
    %slice3A_262 = vector.extract_strided_slice %get3A_219 {offsets = [4], sizes = [1], strides = [1]} : vector<16xi32> to vector<1xi32>
    %squeeze3A_263 = vector.extract %slice3A_262[0] : i32 from vector<1xi32>
    %dma_start3A_264 = arith.constant 0 : i32
    %dma_start3A_265 = tpu.memref_slice %arg5[%add3A_261, %squeeze3A_263, %dma_start3A_264] : memref<1024x1000x16xf32, #tpu.memory_space<hbm>> -> memref<1x1x16xf32, #tpu.memory_space<hbm>>
    %dma_start3A_266 = tpu.memref_squeeze %dma_start3A_265 : memref<1x1x16xf32, #tpu.memory_space<hbm>> -> memref<1x16xf32, #tpu.memory_space<hbm>>
    %dma_start3A_267 = arith.constant 0 : i32
    %dma_start3A_268 = tpu.memref_slice %arg5[%add3A_261, %squeeze3A_263, %dma_start3A_267] : memref<1024x1000x16xf32, #tpu.memory_space<hbm>> -> memref<1x1x16xf32, #tpu.memory_space<hbm>>
    %dma_start3A_269 = tpu.memref_squeeze %dma_start3A_268 : memref<1x1x16xf32, #tpu.memory_space<hbm>> -> memref<1x16xf32, #tpu.memory_space<hbm>>
    tpu.enqueue_dma source(%arg7 : memref<1x16xf32, #tpu.memory_space<vmem>>) target(%dma_start3A_269 : memref<1x16xf32, #tpu.memory_space<hbm>>) target_semaphore(%arg9 : memref<!tpu.dma_semaphore, #tpu.memory_space<semaphore_mem>>)
    %add3A_270 = arith.constant 21 : i32
    %add3A_271 = arith.addi %mul3A_2, %add3A_270 : i32
    %slice3A_272 = vector.extract_strided_slice %get3A_219 {offsets = [5], sizes = [1], strides = [1]} : vector<16xi32> to vector<1xi32>
    %squeeze3A_273 = vector.extract %slice3A_272[0] : i32 from vector<1xi32>
    %dma_start3A_274 = arith.constant 0 : i32
    %dma_start3A_275 = tpu.memref_slice %arg5[%add3A_271, %squeeze3A_273, %dma_start3A_274] : memref<1024x1000x16xf32, #tpu.memory_space<hbm>> -> memref<1x1x16xf32, #tpu.memory_space<hbm>>
    %dma_start3A_276 = tpu.memref_squeeze %dma_start3A_275 : memref<1x1x16xf32, #tpu.memory_space<hbm>> -> memref<1x16xf32, #tpu.memory_space<hbm>>
    %dma_start3A_277 = arith.constant 0 : i32
    %dma_start3A_278 = tpu.memref_slice %arg5[%add3A_271, %squeeze3A_273, %dma_start3A_277] : memref<1024x1000x16xf32, #tpu.memory_space<hbm>> -> memref<1x1x16xf32, #tpu.memory_space<hbm>>
    %dma_start3A_279 = tpu.memref_squeeze %dma_start3A_278 : memref<1x1x16xf32, #tpu.memory_space<hbm>> -> memref<1x16xf32, #tpu.memory_space<hbm>>
    tpu.enqueue_dma source(%arg7 : memref<1x16xf32, #tpu.memory_space<vmem>>) target(%dma_start3A_279 : memref<1x16xf32, #tpu.memory_space<hbm>>) target_semaphore(%arg9 : memref<!tpu.dma_semaphore, #tpu.memory_space<semaphore_mem>>)
    %add3A_280 = arith.constant 22 : i32
    %add3A_281 = arith.addi %mul3A_2, %add3A_280 : i32
    %slice3A_282 = vector.extract_strided_slice %get3A_219 {offsets = [6], sizes = [1], strides = [1]} : vector<16xi32> to vector<1xi32>
    %squeeze3A_283 = vector.extract %slice3A_282[0] : i32 from vector<1xi32>
    %dma_start3A_284 = arith.constant 0 : i32
    %dma_start3A_285 = tpu.memref_slice %arg5[%add3A_281, %squeeze3A_283, %dma_start3A_284] : memref<1024x1000x16xf32, #tpu.memory_space<hbm>> -> memref<1x1x16xf32, #tpu.memory_space<hbm>>
    %dma_start3A_286 = tpu.memref_squeeze %dma_start3A_285 : memref<1x1x16xf32, #tpu.memory_space<hbm>> -> memref<1x16xf32, #tpu.memory_space<hbm>>
    %dma_start3A_287 = arith.constant 0 : i32
    %dma_start3A_288 = tpu.memref_slice %arg5[%add3A_281, %squeeze3A_283, %dma_start3A_287] : memref<1024x1000x16xf32, #tpu.memory_space<hbm>> -> memref<1x1x16xf32, #tpu.memory_space<hbm>>
    %dma_start3A_289 = tpu.memref_squeeze %dma_start3A_288 : memref<1x1x16xf32, #tpu.memory_space<hbm>> -> memref<1x16xf32, #tpu.memory_space<hbm>>
    tpu.enqueue_dma source(%arg7 : memref<1x16xf32, #tpu.memory_space<vmem>>) target(%dma_start3A_289 : memref<1x16xf32, #tpu.memory_space<hbm>>) target_semaphore(%arg9 : memref<!tpu.dma_semaphore, #tpu.memory_space<semaphore_mem>>)
    %add3A_290 = arith.constant 23 : i32
    %add3A_291 = arith.addi %mul3A_2, %add3A_290 : i32
    %slice3A_292 = vector.extract_strided_slice %get3A_219 {offsets = [7], sizes = [1], strides = [1]} : vector<16xi32> to vector<1xi32>
    %squeeze3A_293 = vector.extract %slice3A_292[0] : i32 from vector<1xi32>
    %dma_start3A_294 = arith.constant 0 : i32
    %dma_start3A_295 = tpu.memref_slice %arg5[%add3A_291, %squeeze3A_293, %dma_start3A_294] : memref<1024x1000x16xf32, #tpu.memory_space<hbm>> -> memref<1x1x16xf32, #tpu.memory_space<hbm>>
    %dma_start3A_296 = tpu.memref_squeeze %dma_start3A_295 : memref<1x1x16xf32, #tpu.memory_space<hbm>> -> memref<1x16xf32, #tpu.memory_space<hbm>>
    %dma_start3A_297 = arith.constant 0 : i32
    %dma_start3A_298 = tpu.memref_slice %arg5[%add3A_291, %squeeze3A_293, %dma_start3A_297] : memref<1024x1000x16xf32, #tpu.memory_space<hbm>> -> memref<1x1x16xf32, #tpu.memory_space<hbm>>
    %dma_start3A_299 = tpu.memref_squeeze %dma_start3A_298 : memref<1x1x16xf32, #tpu.memory_space<hbm>> -> memref<1x16xf32, #tpu.memory_space<hbm>>
    tpu.enqueue_dma source(%arg7 : memref<1x16xf32, #tpu.memory_space<vmem>>) target(%dma_start3A_299 : memref<1x16xf32, #tpu.memory_space<hbm>>) target_semaphore(%arg9 : memref<!tpu.dma_semaphore, #tpu.memory_space<semaphore_mem>>)
    %add3A_300 = arith.constant 24 : i32
    %add3A_301 = arith.addi %mul3A_2, %add3A_300 : i32
    %slice3A_302 = vector.extract_strided_slice %get3A_219 {offsets = [8], sizes = [1], strides = [1]} : vector<16xi32> to vector<1xi32>
    %squeeze3A_303 = vector.extract %slice3A_302[0] : i32 from vector<1xi32>
    %dma_start3A_304 = arith.constant 0 : i32
    %dma_start3A_305 = tpu.memref_slice %arg5[%add3A_301, %squeeze3A_303, %dma_start3A_304] : memref<1024x1000x16xf32, #tpu.memory_space<hbm>> -> memref<1x1x16xf32, #tpu.memory_space<hbm>>
    %dma_start3A_306 = tpu.memref_squeeze %dma_start3A_305 : memref<1x1x16xf32, #tpu.memory_space<hbm>> -> memref<1x16xf32, #tpu.memory_space<hbm>>
    %dma_start3A_307 = arith.constant 0 : i32
    %dma_start3A_308 = tpu.memref_slice %arg5[%add3A_301, %squeeze3A_303, %dma_start3A_307] : memref<1024x1000x16xf32, #tpu.memory_space<hbm>> -> memref<1x1x16xf32, #tpu.memory_space<hbm>>
    %dma_start3A_309 = tpu.memref_squeeze %dma_start3A_308 : memref<1x1x16xf32, #tpu.memory_space<hbm>> -> memref<1x16xf32, #tpu.memory_space<hbm>>
    tpu.enqueue_dma source(%arg7 : memref<1x16xf32, #tpu.memory_space<vmem>>) target(%dma_start3A_309 : memref<1x16xf32, #tpu.memory_space<hbm>>) target_semaphore(%arg9 : memref<!tpu.dma_semaphore, #tpu.memory_space<semaphore_mem>>)
    %add3A_310 = arith.constant 25 : i32
    %add3A_311 = arith.addi %mul3A_2, %add3A_310 : i32
    %slice3A_312 = vector.extract_strided_slice %get3A_219 {offsets = [9], sizes = [1], strides = [1]} : vector<16xi32> to vector<1xi32>
    %squeeze3A_313 = vector.extract %slice3A_312[0] : i32 from vector<1xi32>
    %dma_start3A_314 = arith.constant 0 : i32
    %dma_start3A_315 = tpu.memref_slice %arg5[%add3A_311, %squeeze3A_313, %dma_start3A_314] : memref<1024x1000x16xf32, #tpu.memory_space<hbm>> -> memref<1x1x16xf32, #tpu.memory_space<hbm>>
    %dma_start3A_316 = tpu.memref_squeeze %dma_start3A_315 : memref<1x1x16xf32, #tpu.memory_space<hbm>> -> memref<1x16xf32, #tpu.memory_space<hbm>>
    %dma_start3A_317 = arith.constant 0 : i32
    %dma_start3A_318 = tpu.memref_slice %arg5[%add3A_311, %squeeze3A_313, %dma_start3A_317] : memref<1024x1000x16xf32, #tpu.memory_space<hbm>> -> memref<1x1x16xf32, #tpu.memory_space<hbm>>
    %dma_start3A_319 = tpu.memref_squeeze %dma_start3A_318 : memref<1x1x16xf32, #tpu.memory_space<hbm>> -> memref<1x16xf32, #tpu.memory_space<hbm>>
    tpu.enqueue_dma source(%arg7 : memref<1x16xf32, #tpu.memory_space<vmem>>) target(%dma_start3A_319 : memref<1x16xf32, #tpu.memory_space<hbm>>) target_semaphore(%arg9 : memref<!tpu.dma_semaphore, #tpu.memory_space<semaphore_mem>>)
    %add3A_320 = arith.constant 26 : i32
    %add3A_321 = arith.addi %mul3A_2, %add3A_320 : i32
    %slice3A_322 = vector.extract_strided_slice %get3A_219 {offsets = [10], sizes = [1], strides = [1]} : vector<16xi32> to vector<1xi32>
    %squeeze3A_323 = vector.extract %slice3A_322[0] : i32 from vector<1xi32>
    %dma_start3A_324 = arith.constant 0 : i32
    %dma_start3A_325 = tpu.memref_slice %arg5[%add3A_321, %squeeze3A_323, %dma_start3A_324] : memref<1024x1000x16xf32, #tpu.memory_space<hbm>> -> memref<1x1x16xf32, #tpu.memory_space<hbm>>
    %dma_start3A_326 = tpu.memref_squeeze %dma_start3A_325 : memref<1x1x16xf32, #tpu.memory_space<hbm>> -> memref<1x16xf32, #tpu.memory_space<hbm>>
    %dma_start3A_327 = arith.constant 0 : i32
    %dma_start3A_328 = tpu.memref_slice %arg5[%add3A_321, %squeeze3A_323, %dma_start3A_327] : memref<1024x1000x16xf32, #tpu.memory_space<hbm>> -> memref<1x1x16xf32, #tpu.memory_space<hbm>>
    %dma_start3A_329 = tpu.memref_squeeze %dma_start3A_328 : memref<1x1x16xf32, #tpu.memory_space<hbm>> -> memref<1x16xf32, #tpu.memory_space<hbm>>
    tpu.enqueue_dma source(%arg7 : memref<1x16xf32, #tpu.memory_space<vmem>>) target(%dma_start3A_329 : memref<1x16xf32, #tpu.memory_space<hbm>>) target_semaphore(%arg9 : memref<!tpu.dma_semaphore, #tpu.memory_space<semaphore_mem>>)
    %add3A_330 = arith.constant 27 : i32
    %add3A_331 = arith.addi %mul3A_2, %add3A_330 : i32
    %slice3A_332 = vector.extract_strided_slice %get3A_219 {offsets = [11], sizes = [1], strides = [1]} : vector<16xi32> to vector<1xi32>
    %squeeze3A_333 = vector.extract %slice3A_332[0] : i32 from vector<1xi32>
    %dma_start3A_334 = arith.constant 0 : i32
    %dma_start3A_335 = tpu.memref_slice %arg5[%add3A_331, %squeeze3A_333, %dma_start3A_334] : memref<1024x1000x16xf32, #tpu.memory_space<hbm>> -> memref<1x1x16xf32, #tpu.memory_space<hbm>>
    %dma_start3A_336 = tpu.memref_squeeze %dma_start3A_335 : memref<1x1x16xf32, #tpu.memory_space<hbm>> -> memref<1x16xf32, #tpu.memory_space<hbm>>
    %dma_start3A_337 = arith.constant 0 : i32
    %dma_start3A_338 = tpu.memref_slice %arg5[%add3A_331, %squeeze3A_333, %dma_start3A_337] : memref<1024x1000x16xf32, #tpu.memory_space<hbm>> -> memref<1x1x16xf32, #tpu.memory_space<hbm>>
    %dma_start3A_339 = tpu.memref_squeeze %dma_start3A_338 : memref<1x1x16xf32, #tpu.memory_space<hbm>> -> memref<1x16xf32, #tpu.memory_space<hbm>>
    tpu.enqueue_dma source(%arg7 : memref<1x16xf32, #tpu.memory_space<vmem>>) target(%dma_start3A_339 : memref<1x16xf32, #tpu.memory_space<hbm>>) target_semaphore(%arg9 : memref<!tpu.dma_semaphore, #tpu.memory_space<semaphore_mem>>)
    %add3A_340 = arith.constant 28 : i32
    %add3A_341 = arith.addi %mul3A_2, %add3A_340 : i32
    %slice3A_342 = vector.extract_strided_slice %get3A_219 {offsets = [12], sizes = [1], strides = [1]} : vector<16xi32> to vector<1xi32>
    %squeeze3A_343 = vector.extract %slice3A_342[0] : i32 from vector<1xi32>
    %dma_start3A_344 = arith.constant 0 : i32
    %dma_start3A_345 = tpu.memref_slice %arg5[%add3A_341, %squeeze3A_343, %dma_start3A_344] : memref<1024x1000x16xf32, #tpu.memory_space<hbm>> -> memref<1x1x16xf32, #tpu.memory_space<hbm>>
    %dma_start3A_346 = tpu.memref_squeeze %dma_start3A_345 : memref<1x1x16xf32, #tpu.memory_space<hbm>> -> memref<1x16xf32, #tpu.memory_space<hbm>>
    %dma_start3A_347 = arith.constant 0 : i32
    %dma_start3A_348 = tpu.memref_slice %arg5[%add3A_341, %squeeze3A_343, %dma_start3A_347] : memref<1024x1000x16xf32, #tpu.memory_space<hbm>> -> memref<1x1x16xf32, #tpu.memory_space<hbm>>
    %dma_start3A_349 = tpu.memref_squeeze %dma_start3A_348 : memref<1x1x16xf32, #tpu.memory_space<hbm>> -> memref<1x16xf32, #tpu.memory_space<hbm>>
    tpu.enqueue_dma source(%arg7 : memref<1x16xf32, #tpu.memory_space<vmem>>) target(%dma_start3A_349 : memref<1x16xf32, #tpu.memory_space<hbm>>) target_semaphore(%arg9 : memref<!tpu.dma_semaphore, #tpu.memory_space<semaphore_mem>>)
    %add3A_350 = arith.constant 29 : i32
    %add3A_351 = arith.addi %mul3A_2, %add3A_350 : i32
    %slice3A_352 = vector.extract_strided_slice %get3A_219 {offsets = [13], sizes = [1], strides = [1]} : vector<16xi32> to vector<1xi32>
    %squeeze3A_353 = vector.extract %slice3A_352[0] : i32 from vector<1xi32>
    %dma_start3A_354 = arith.constant 0 : i32
    %dma_start3A_355 = tpu.memref_slice %arg5[%add3A_351, %squeeze3A_353, %dma_start3A_354] : memref<1024x1000x16xf32, #tpu.memory_space<hbm>> -> memref<1x1x16xf32, #tpu.memory_space<hbm>>
    %dma_start3A_356 = tpu.memref_squeeze %dma_start3A_355 : memref<1x1x16xf32, #tpu.memory_space<hbm>> -> memref<1x16xf32, #tpu.memory_space<hbm>>
    %dma_start3A_357 = arith.constant 0 : i32
    %dma_start3A_358 = tpu.memref_slice %arg5[%add3A_351, %squeeze3A_353, %dma_start3A_357] : memref<1024x1000x16xf32, #tpu.memory_space<hbm>> -> memref<1x1x16xf32, #tpu.memory_space<hbm>>
    %dma_start3A_359 = tpu.memref_squeeze %dma_start3A_358 : memref<1x1x16xf32, #tpu.memory_space<hbm>> -> memref<1x16xf32, #tpu.memory_space<hbm>>
    tpu.enqueue_dma source(%arg7 : memref<1x16xf32, #tpu.memory_space<vmem>>) target(%dma_start3A_359 : memref<1x16xf32, #tpu.memory_space<hbm>>) target_semaphore(%arg9 : memref<!tpu.dma_semaphore, #tpu.memory_space<semaphore_mem>>)
    %add3A_360 = arith.constant 30 : i32
    %add3A_361 = arith.addi %mul3A_2, %add3A_360 : i32
    %slice3A_362 = vector.extract_strided_slice %get3A_219 {offsets = [14], sizes = [1], strides = [1]} : vector<16xi32> to vector<1xi32>
    %squeeze3A_363 = vector.extract %slice3A_362[0] : i32 from vector<1xi32>
    %dma_start3A_364 = arith.constant 0 : i32
    %dma_start3A_365 = tpu.memref_slice %arg5[%add3A_361, %squeeze3A_363, %dma_start3A_364] : memref<1024x1000x16xf32, #tpu.memory_space<hbm>> -> memref<1x1x16xf32, #tpu.memory_space<hbm>>
    %dma_start3A_366 = tpu.memref_squeeze %dma_start3A_365 : memref<1x1x16xf32, #tpu.memory_space<hbm>> -> memref<1x16xf32, #tpu.memory_space<hbm>>
    %dma_start3A_367 = arith.constant 0 : i32
    %dma_start3A_368 = tpu.memref_slice %arg5[%add3A_361, %squeeze3A_363, %dma_start3A_367] : memref<1024x1000x16xf32, #tpu.memory_space<hbm>> -> memref<1x1x16xf32, #tpu.memory_space<hbm>>
    %dma_start3A_369 = tpu.memref_squeeze %dma_start3A_368 : memref<1x1x16xf32, #tpu.memory_space<hbm>> -> memref<1x16xf32, #tpu.memory_space<hbm>>
    tpu.enqueue_dma source(%arg7 : memref<1x16xf32, #tpu.memory_space<vmem>>) target(%dma_start3A_369 : memref<1x16xf32, #tpu.memory_space<hbm>>) target_semaphore(%arg9 : memref<!tpu.dma_semaphore, #tpu.memory_space<semaphore_mem>>)
    %add3A_370 = arith.constant 31 : i32
    %add3A_371 = arith.addi %mul3A_2, %add3A_370 : i32
    %slice3A_372 = vector.extract_strided_slice %get3A_219 {offsets = [15], sizes = [1], strides = [1]} : vector<16xi32> to vector<1xi32>
    %squeeze3A_373 = vector.extract %slice3A_372[0] : i32 from vector<1xi32>
    %dma_start3A_374 = arith.constant 0 : i32
    %dma_start3A_375 = tpu.memref_slice %arg5[%add3A_371, %squeeze3A_373, %dma_start3A_374] : memref<1024x1000x16xf32, #tpu.memory_space<hbm>> -> memref<1x1x16xf32, #tpu.memory_space<hbm>>
    %dma_start3A_376 = tpu.memref_squeeze %dma_start3A_375 : memref<1x1x16xf32, #tpu.memory_space<hbm>> -> memref<1x16xf32, #tpu.memory_space<hbm>>
    %dma_start3A_377 = arith.constant 0 : i32
    %dma_start3A_378 = tpu.memref_slice %arg5[%add3A_371, %squeeze3A_373, %dma_start3A_377] : memref<1024x1000x16xf32, #tpu.memory_space<hbm>> -> memref<1x1x16xf32, #tpu.memory_space<hbm>>
    %dma_start3A_379 = tpu.memref_squeeze %dma_start3A_378 : memref<1x1x16xf32, #tpu.memory_space<hbm>> -> memref<1x16xf32, #tpu.memory_space<hbm>>
    tpu.enqueue_dma source(%arg7 : memref<1x16xf32, #tpu.memory_space<vmem>>) target(%dma_start3A_379 : memref<1x16xf32, #tpu.memory_space<hbm>>) target_semaphore(%arg9 : memref<!tpu.dma_semaphore, #tpu.memory_space<semaphore_mem>>)
    %dma_wait3A_380 = arith.constant 0 : i32
    %dma_wait3A_381 = tpu.memref_slice %arg5[%add3A_60, %squeeze3A, %dma_wait3A_380] : memref<1024x1000x16xf32, #tpu.memory_space<hbm>> -> memref<1x1x16xf32, #tpu.memory_space<hbm>>
    %dma_wait3A_382 = tpu.memref_squeeze %dma_wait3A_381 : memref<1x1x16xf32, #tpu.memory_space<hbm>> -> memref<1x16xf32, #tpu.memory_space<hbm>>
    %dma_wait3A_383 = arith.constant 0 : i32
    %dma_wait3A_384 = tpu.memref_slice %arg5[%add3A_60, %squeeze3A, %dma_wait3A_383] : memref<1024x1000x16xf32, #tpu.memory_space<hbm>> -> memref<1x1x16xf32, #tpu.memory_space<hbm>>
    %dma_wait3A_385 = tpu.memref_squeeze %dma_wait3A_384 : memref<1x1x16xf32, #tpu.memory_space<hbm>> -> memref<1x16xf32, #tpu.memory_space<hbm>>
    tpu.wait_dma2 semaphore(%arg9 : memref<!tpu.dma_semaphore, #tpu.memory_space<semaphore_mem>>) src(%arg7 : memref<1x16xf32, #tpu.memory_space<vmem>>) dst(%dma_wait3A_385 : memref<1x16xf32, #tpu.memory_space<hbm>>)
    %dma_wait3A_386 = arith.constant 0 : i32
    %dma_wait3A_387 = tpu.memref_slice %arg5[%add3A_68, %squeeze3A_70, %dma_wait3A_386] : memref<1024x1000x16xf32, #tpu.memory_space<hbm>> -> memref<1x1x16xf32, #tpu.memory_space<hbm>>
    %dma_wait3A_388 = tpu.memref_squeeze %dma_wait3A_387 : memref<1x1x16xf32, #tpu.memory_space<hbm>> -> memref<1x16xf32, #tpu.memory_space<hbm>>
    %dma_wait3A_389 = arith.constant 0 : i32
    %dma_wait3A_390 = tpu.memref_slice %arg5[%add3A_68, %squeeze3A_70, %dma_wait3A_389] : memref<1024x1000x16xf32, #tpu.memory_space<hbm>> -> memref<1x1x16xf32, #tpu.memory_space<hbm>>
    %dma_wait3A_391 = tpu.memref_squeeze %dma_wait3A_390 : memref<1x1x16xf32, #tpu.memory_space<hbm>> -> memref<1x16xf32, #tpu.memory_space<hbm>>
    tpu.wait_dma2 semaphore(%arg9 : memref<!tpu.dma_semaphore, #tpu.memory_space<semaphore_mem>>) src(%arg7 : memref<1x16xf32, #tpu.memory_space<vmem>>) dst(%dma_wait3A_391 : memref<1x16xf32, #tpu.memory_space<hbm>>)
    %dma_wait3A_392 = arith.constant 0 : i32
    %dma_wait3A_393 = tpu.memref_slice %arg5[%add3A_78, %squeeze3A_80, %dma_wait3A_392] : memref<1024x1000x16xf32, #tpu.memory_space<hbm>> -> memref<1x1x16xf32, #tpu.memory_space<hbm>>
    %dma_wait3A_394 = tpu.memref_squeeze %dma_wait3A_393 : memref<1x1x16xf32, #tpu.memory_space<hbm>> -> memref<1x16xf32, #tpu.memory_space<hbm>>
    %dma_wait3A_395 = arith.constant 0 : i32
    %dma_wait3A_396 = tpu.memref_slice %arg5[%add3A_78, %squeeze3A_80, %dma_wait3A_395] : memref<1024x1000x16xf32, #tpu.memory_space<hbm>> -> memref<1x1x16xf32, #tpu.memory_space<hbm>>
    %dma_wait3A_397 = tpu.memref_squeeze %dma_wait3A_396 : memref<1x1x16xf32, #tpu.memory_space<hbm>> -> memref<1x16xf32, #tpu.memory_space<hbm>>
    tpu.wait_dma2 semaphore(%arg9 : memref<!tpu.dma_semaphore, #tpu.memory_space<semaphore_mem>>) src(%arg7 : memref<1x16xf32, #tpu.memory_space<vmem>>) dst(%dma_wait3A_397 : memref<1x16xf32, #tpu.memory_space<hbm>>)
    %dma_wait3A_398 = arith.constant 0 : i32
    %dma_wait3A_399 = tpu.memref_slice %arg5[%add3A_88, %squeeze3A_90, %dma_wait3A_398] : memref<1024x1000x16xf32, #tpu.memory_space<hbm>> -> memref<1x1x16xf32, #tpu.memory_space<hbm>>
    %dma_wait3A_400 = tpu.memref_squeeze %dma_wait3A_399 : memref<1x1x16xf32, #tpu.memory_space<hbm>> -> memref<1x16xf32, #tpu.memory_space<hbm>>
    %dma_wait3A_401 = arith.constant 0 : i32
    %dma_wait3A_402 = tpu.memref_slice %arg5[%add3A_88, %squeeze3A_90, %dma_wait3A_401] : memref<1024x1000x16xf32, #tpu.memory_space<hbm>> -> memref<1x1x16xf32, #tpu.memory_space<hbm>>
    %dma_wait3A_403 = tpu.memref_squeeze %dma_wait3A_402 : memref<1x1x16xf32, #tpu.memory_space<hbm>> -> memref<1x16xf32, #tpu.memory_space<hbm>>
    tpu.wait_dma2 semaphore(%arg9 : memref<!tpu.dma_semaphore, #tpu.memory_space<semaphore_mem>>) src(%arg7 : memref<1x16xf32, #tpu.memory_space<vmem>>) dst(%dma_wait3A_403 : memref<1x16xf32, #tpu.memory_space<hbm>>)
    %dma_wait3A_404 = arith.constant 0 : i32
    %dma_wait3A_405 = tpu.memref_slice %arg5[%add3A_98, %squeeze3A_100, %dma_wait3A_404] : memref<1024x1000x16xf32, #tpu.memory_space<hbm>> -> memref<1x1x16xf32, #tpu.memory_space<hbm>>
    %dma_wait3A_406 = tpu.memref_squeeze %dma_wait3A_405 : memref<1x1x16xf32, #tpu.memory_space<hbm>> -> memref<1x16xf32, #tpu.memory_space<hbm>>
    %dma_wait3A_407 = arith.constant 0 : i32
    %dma_wait3A_408 = tpu.memref_slice %arg5[%add3A_98, %squeeze3A_100, %dma_wait3A_407] : memref<1024x1000x16xf32, #tpu.memory_space<hbm>> -> memref<1x1x16xf32, #tpu.memory_space<hbm>>
    %dma_wait3A_409 = tpu.memref_squeeze %dma_wait3A_408 : memref<1x1x16xf32, #tpu.memory_space<hbm>> -> memref<1x16xf32, #tpu.memory_space<hbm>>
    tpu.wait_dma2 semaphore(%arg9 : memref<!tpu.dma_semaphore, #tpu.memory_space<semaphore_mem>>) src(%arg7 : memref<1x16xf32, #tpu.memory_space<vmem>>) dst(%dma_wait3A_409 : memref<1x16xf32, #tpu.memory_space<hbm>>)
    %dma_wait3A_410 = arith.constant 0 : i32
    %dma_wait3A_411 = tpu.memref_slice %arg5[%add3A_108, %squeeze3A_110, %dma_wait3A_410] : memref<1024x1000x16xf32, #tpu.memory_space<hbm>> -> memref<1x1x16xf32, #tpu.memory_space<hbm>>
    %dma_wait3A_412 = tpu.memref_squeeze %dma_wait3A_411 : memref<1x1x16xf32, #tpu.memory_space<hbm>> -> memref<1x16xf32, #tpu.memory_space<hbm>>
    %dma_wait3A_413 = arith.constant 0 : i32
    %dma_wait3A_414 = tpu.memref_slice %arg5[%add3A_108, %squeeze3A_110, %dma_wait3A_413] : memref<1024x1000x16xf32, #tpu.memory_space<hbm>> -> memref<1x1x16xf32, #tpu.memory_space<hbm>>
    %dma_wait3A_415 = tpu.memref_squeeze %dma_wait3A_414 : memref<1x1x16xf32, #tpu.memory_space<hbm>> -> memref<1x16xf32, #tpu.memory_space<hbm>>
    tpu.wait_dma2 semaphore(%arg9 : memref<!tpu.dma_semaphore, #tpu.memory_space<semaphore_mem>>) src(%arg7 : memref<1x16xf32, #tpu.memory_space<vmem>>) dst(%dma_wait3A_415 : memref<1x16xf32, #tpu.memory_space<hbm>>)
    %dma_wait3A_416 = arith.constant 0 : i32
    %dma_wait3A_417 = tpu.memref_slice %arg5[%add3A_118, %squeeze3A_120, %dma_wait3A_416] : memref<1024x1000x16xf32, #tpu.memory_space<hbm>> -> memref<1x1x16xf32, #tpu.memory_space<hbm>>
    %dma_wait3A_418 = tpu.memref_squeeze %dma_wait3A_417 : memref<1x1x16xf32, #tpu.memory_space<hbm>> -> memref<1x16xf32, #tpu.memory_space<hbm>>
    %dma_wait3A_419 = arith.constant 0 : i32
    %dma_wait3A_420 = tpu.memref_slice %arg5[%add3A_118, %squeeze3A_120, %dma_wait3A_419] : memref<1024x1000x16xf32, #tpu.memory_space<hbm>> -> memref<1x1x16xf32, #tpu.memory_space<hbm>>
    %dma_wait3A_421 = tpu.memref_squeeze %dma_wait3A_420 : memref<1x1x16xf32, #tpu.memory_space<hbm>> -> memref<1x16xf32, #tpu.memory_space<hbm>>
    tpu.wait_dma2 semaphore(%arg9 : memref<!tpu.dma_semaphore, #tpu.memory_space<semaphore_mem>>) src(%arg7 : memref<1x16xf32, #tpu.memory_space<vmem>>) dst(%dma_wait3A_421 : memref<1x16xf32, #tpu.memory_space<hbm>>)
    %dma_wait3A_422 = arith.constant 0 : i32
    %dma_wait3A_423 = tpu.memref_slice %arg5[%add3A_128, %squeeze3A_130, %dma_wait3A_422] : memref<1024x1000x16xf32, #tpu.memory_space<hbm>> -> memref<1x1x16xf32, #tpu.memory_space<hbm>>
    %dma_wait3A_424 = tpu.memref_squeeze %dma_wait3A_423 : memref<1x1x16xf32, #tpu.memory_space<hbm>> -> memref<1x16xf32, #tpu.memory_space<hbm>>
    %dma_wait3A_425 = arith.constant 0 : i32
    %dma_wait3A_426 = tpu.memref_slice %arg5[%add3A_128, %squeeze3A_130, %dma_wait3A_425] : memref<1024x1000x16xf32, #tpu.memory_space<hbm>> -> memref<1x1x16xf32, #tpu.memory_space<hbm>>
    %dma_wait3A_427 = tpu.memref_squeeze %dma_wait3A_426 : memref<1x1x16xf32, #tpu.memory_space<hbm>> -> memref<1x16xf32, #tpu.memory_space<hbm>>
    tpu.wait_dma2 semaphore(%arg9 : memref<!tpu.dma_semaphore, #tpu.memory_space<semaphore_mem>>) src(%arg7 : memref<1x16xf32, #tpu.memory_space<vmem>>) dst(%dma_wait3A_427 : memref<1x16xf32, #tpu.memory_space<hbm>>)
    %dma_wait3A_428 = arith.constant 0 : i32
    %dma_wait3A_429 = tpu.memref_slice %arg5[%add3A_138, %squeeze3A_140, %dma_wait3A_428] : memref<1024x1000x16xf32, #tpu.memory_space<hbm>> -> memref<1x1x16xf32, #tpu.memory_space<hbm>>
    %dma_wait3A_430 = tpu.memref_squeeze %dma_wait3A_429 : memref<1x1x16xf32, #tpu.memory_space<hbm>> -> memref<1x16xf32, #tpu.memory_space<hbm>>
    %dma_wait3A_431 = arith.constant 0 : i32
    %dma_wait3A_432 = tpu.memref_slice %arg5[%add3A_138, %squeeze3A_140, %dma_wait3A_431] : memref<1024x1000x16xf32, #tpu.memory_space<hbm>> -> memref<1x1x16xf32, #tpu.memory_space<hbm>>
    %dma_wait3A_433 = tpu.memref_squeeze %dma_wait3A_432 : memref<1x1x16xf32, #tpu.memory_space<hbm>> -> memref<1x16xf32, #tpu.memory_space<hbm>>
    tpu.wait_dma2 semaphore(%arg9 : memref<!tpu.dma_semaphore, #tpu.memory_space<semaphore_mem>>) src(%arg7 : memref<1x16xf32, #tpu.memory_space<vmem>>) dst(%dma_wait3A_433 : memref<1x16xf32, #tpu.memory_space<hbm>>)
    %dma_wait3A_434 = arith.constant 0 : i32
    %dma_wait3A_435 = tpu.memref_slice %arg5[%add3A_148, %squeeze3A_150, %dma_wait3A_434] : memref<1024x1000x16xf32, #tpu.memory_space<hbm>> -> memref<1x1x16xf32, #tpu.memory_space<hbm>>
    %dma_wait3A_436 = tpu.memref_squeeze %dma_wait3A_435 : memref<1x1x16xf32, #tpu.memory_space<hbm>> -> memref<1x16xf32, #tpu.memory_space<hbm>>
    %dma_wait3A_437 = arith.constant 0 : i32
    %dma_wait3A_438 = tpu.memref_slice %arg5[%add3A_148, %squeeze3A_150, %dma_wait3A_437] : memref<1024x1000x16xf32, #tpu.memory_space<hbm>> -> memref<1x1x16xf32, #tpu.memory_space<hbm>>
    %dma_wait3A_439 = tpu.memref_squeeze %dma_wait3A_438 : memref<1x1x16xf32, #tpu.memory_space<hbm>> -> memref<1x16xf32, #tpu.memory_space<hbm>>
    tpu.wait_dma2 semaphore(%arg9 : memref<!tpu.dma_semaphore, #tpu.memory_space<semaphore_mem>>) src(%arg7 : memref<1x16xf32, #tpu.memory_space<vmem>>) dst(%dma_wait3A_439 : memref<1x16xf32, #tpu.memory_space<hbm>>)
    %dma_wait3A_440 = arith.constant 0 : i32
    %dma_wait3A_441 = tpu.memref_slice %arg5[%add3A_158, %squeeze3A_160, %dma_wait3A_440] : memref<1024x1000x16xf32, #tpu.memory_space<hbm>> -> memref<1x1x16xf32, #tpu.memory_space<hbm>>
    %dma_wait3A_442 = tpu.memref_squeeze %dma_wait3A_441 : memref<1x1x16xf32, #tpu.memory_space<hbm>> -> memref<1x16xf32, #tpu.memory_space<hbm>>
    %dma_wait3A_443 = arith.constant 0 : i32
    %dma_wait3A_444 = tpu.memref_slice %arg5[%add3A_158, %squeeze3A_160, %dma_wait3A_443] : memref<1024x1000x16xf32, #tpu.memory_space<hbm>> -> memref<1x1x16xf32, #tpu.memory_space<hbm>>
    %dma_wait3A_445 = tpu.memref_squeeze %dma_wait3A_444 : memref<1x1x16xf32, #tpu.memory_space<hbm>> -> memref<1x16xf32, #tpu.memory_space<hbm>>
    tpu.wait_dma2 semaphore(%arg9 : memref<!tpu.dma_semaphore, #tpu.memory_space<semaphore_mem>>) src(%arg7 : memref<1x16xf32, #tpu.memory_space<vmem>>) dst(%dma_wait3A_445 : memref<1x16xf32, #tpu.memory_space<hbm>>)
    %dma_wait3A_446 = arith.constant 0 : i32
    %dma_wait3A_447 = tpu.memref_slice %arg5[%add3A_168, %squeeze3A_170, %dma_wait3A_446] : memref<1024x1000x16xf32, #tpu.memory_space<hbm>> -> memref<1x1x16xf32, #tpu.memory_space<hbm>>
    %dma_wait3A_448 = tpu.memref_squeeze %dma_wait3A_447 : memref<1x1x16xf32, #tpu.memory_space<hbm>> -> memref<1x16xf32, #tpu.memory_space<hbm>>
    %dma_wait3A_449 = arith.constant 0 : i32
    %dma_wait3A_450 = tpu.memref_slice %arg5[%add3A_168, %squeeze3A_170, %dma_wait3A_449] : memref<1024x1000x16xf32, #tpu.memory_space<hbm>> -> memref<1x1x16xf32, #tpu.memory_space<hbm>>
    %dma_wait3A_451 = tpu.memref_squeeze %dma_wait3A_450 : memref<1x1x16xf32, #tpu.memory_space<hbm>> -> memref<1x16xf32, #tpu.memory_space<hbm>>
    tpu.wait_dma2 semaphore(%arg9 : memref<!tpu.dma_semaphore, #tpu.memory_space<semaphore_mem>>) src(%arg7 : memref<1x16xf32, #tpu.memory_space<vmem>>) dst(%dma_wait3A_451 : memref<1x16xf32, #tpu.memory_space<hbm>>)
    %dma_wait3A_452 = arith.constant 0 : i32
    %dma_wait3A_453 = tpu.memref_slice %arg5[%add3A_178, %squeeze3A_180, %dma_wait3A_452] : memref<1024x1000x16xf32, #tpu.memory_space<hbm>> -> memref<1x1x16xf32, #tpu.memory_space<hbm>>
    %dma_wait3A_454 = tpu.memref_squeeze %dma_wait3A_453 : memref<1x1x16xf32, #tpu.memory_space<hbm>> -> memref<1x16xf32, #tpu.memory_space<hbm>>
    %dma_wait3A_455 = arith.constant 0 : i32
    %dma_wait3A_456 = tpu.memref_slice %arg5[%add3A_178, %squeeze3A_180, %dma_wait3A_455] : memref<1024x1000x16xf32, #tpu.memory_space<hbm>> -> memref<1x1x16xf32, #tpu.memory_space<hbm>>
    %dma_wait3A_457 = tpu.memref_squeeze %dma_wait3A_456 : memref<1x1x16xf32, #tpu.memory_space<hbm>> -> memref<1x16xf32, #tpu.memory_space<hbm>>
    tpu.wait_dma2 semaphore(%arg9 : memref<!tpu.dma_semaphore, #tpu.memory_space<semaphore_mem>>) src(%arg7 : memref<1x16xf32, #tpu.memory_space<vmem>>) dst(%dma_wait3A_457 : memref<1x16xf32, #tpu.memory_space<hbm>>)
    %dma_wait3A_458 = arith.constant 0 : i32
    %dma_wait3A_459 = tpu.memref_slice %arg5[%add3A_188, %squeeze3A_190, %dma_wait3A_458] : memref<1024x1000x16xf32, #tpu.memory_space<hbm>> -> memref<1x1x16xf32, #tpu.memory_space<hbm>>
    %dma_wait3A_460 = tpu.memref_squeeze %dma_wait3A_459 : memref<1x1x16xf32, #tpu.memory_space<hbm>> -> memref<1x16xf32, #tpu.memory_space<hbm>>
    %dma_wait3A_461 = arith.constant 0 : i32
    %dma_wait3A_462 = tpu.memref_slice %arg5[%add3A_188, %squeeze3A_190, %dma_wait3A_461] : memref<1024x1000x16xf32, #tpu.memory_space<hbm>> -> memref<1x1x16xf32, #tpu.memory_space<hbm>>
    %dma_wait3A_463 = tpu.memref_squeeze %dma_wait3A_462 : memref<1x1x16xf32, #tpu.memory_space<hbm>> -> memref<1x16xf32, #tpu.memory_space<hbm>>
    tpu.wait_dma2 semaphore(%arg9 : memref<!tpu.dma_semaphore, #tpu.memory_space<semaphore_mem>>) src(%arg7 : memref<1x16xf32, #tpu.memory_space<vmem>>) dst(%dma_wait3A_463 : memref<1x16xf32, #tpu.memory_space<hbm>>)
    %dma_wait3A_464 = arith.constant 0 : i32
    %dma_wait3A_465 = tpu.memref_slice %arg5[%add3A_198, %squeeze3A_200, %dma_wait3A_464] : memref<1024x1000x16xf32, #tpu.memory_space<hbm>> -> memref<1x1x16xf32, #tpu.memory_space<hbm>>
    %dma_wait3A_466 = tpu.memref_squeeze %dma_wait3A_465 : memref<1x1x16xf32, #tpu.memory_space<hbm>> -> memref<1x16xf32, #tpu.memory_space<hbm>>
    %dma_wait3A_467 = arith.constant 0 : i32
    %dma_wait3A_468 = tpu.memref_slice %arg5[%add3A_198, %squeeze3A_200, %dma_wait3A_467] : memref<1024x1000x16xf32, #tpu.memory_space<hbm>> -> memref<1x1x16xf32, #tpu.memory_space<hbm>>
    %dma_wait3A_469 = tpu.memref_squeeze %dma_wait3A_468 : memref<1x1x16xf32, #tpu.memory_space<hbm>> -> memref<1x16xf32, #tpu.memory_space<hbm>>
    tpu.wait_dma2 semaphore(%arg9 : memref<!tpu.dma_semaphore, #tpu.memory_space<semaphore_mem>>) src(%arg7 : memref<1x16xf32, #tpu.memory_space<vmem>>) dst(%dma_wait3A_469 : memref<1x16xf32, #tpu.memory_space<hbm>>)
    %dma_wait3A_470 = arith.constant 0 : i32
    %dma_wait3A_471 = tpu.memref_slice %arg5[%add3A_208, %squeeze3A_210, %dma_wait3A_470] : memref<1024x1000x16xf32, #tpu.memory_space<hbm>> -> memref<1x1x16xf32, #tpu.memory_space<hbm>>
    %dma_wait3A_472 = tpu.memref_squeeze %dma_wait3A_471 : memref<1x1x16xf32, #tpu.memory_space<hbm>> -> memref<1x16xf32, #tpu.memory_space<hbm>>
    %dma_wait3A_473 = arith.constant 0 : i32
    %dma_wait3A_474 = tpu.memref_slice %arg5[%add3A_208, %squeeze3A_210, %dma_wait3A_473] : memref<1024x1000x16xf32, #tpu.memory_space<hbm>> -> memref<1x1x16xf32, #tpu.memory_space<hbm>>
    %dma_wait3A_475 = tpu.memref_squeeze %dma_wait3A_474 : memref<1x1x16xf32, #tpu.memory_space<hbm>> -> memref<1x16xf32, #tpu.memory_space<hbm>>
    tpu.wait_dma2 semaphore(%arg9 : memref<!tpu.dma_semaphore, #tpu.memory_space<semaphore_mem>>) src(%arg7 : memref<1x16xf32, #tpu.memory_space<vmem>>) dst(%dma_wait3A_475 : memref<1x16xf32, #tpu.memory_space<hbm>>)
    %dma_wait3A_476 = arith.constant 0 : i32
    %dma_wait3A_477 = tpu.memref_slice %arg5[%add3A_221, %squeeze3A_223, %dma_wait3A_476] : memref<1024x1000x16xf32, #tpu.memory_space<hbm>> -> memref<1x1x16xf32, #tpu.memory_space<hbm>>
    %dma_wait3A_478 = tpu.memref_squeeze %dma_wait3A_477 : memref<1x1x16xf32, #tpu.memory_space<hbm>> -> memref<1x16xf32, #tpu.memory_space<hbm>>
    %dma_wait3A_479 = arith.constant 0 : i32
    %dma_wait3A_480 = tpu.memref_slice %arg5[%add3A_221, %squeeze3A_223, %dma_wait3A_479] : memref<1024x1000x16xf32, #tpu.memory_space<hbm>> -> memref<1x1x16xf32, #tpu.memory_space<hbm>>
    %dma_wait3A_481 = tpu.memref_squeeze %dma_wait3A_480 : memref<1x1x16xf32, #tpu.memory_space<hbm>> -> memref<1x16xf32, #tpu.memory_space<hbm>>
    tpu.wait_dma2 semaphore(%arg9 : memref<!tpu.dma_semaphore, #tpu.memory_space<semaphore_mem>>) src(%arg7 : memref<1x16xf32, #tpu.memory_space<vmem>>) dst(%dma_wait3A_481 : memref<1x16xf32, #tpu.memory_space<hbm>>)
    %dma_wait3A_482 = arith.constant 0 : i32
    %dma_wait3A_483 = tpu.memref_slice %arg5[%add3A_231, %squeeze3A_233, %dma_wait3A_482] : memref<1024x1000x16xf32, #tpu.memory_space<hbm>> -> memref<1x1x16xf32, #tpu.memory_space<hbm>>
    %dma_wait3A_484 = tpu.memref_squeeze %dma_wait3A_483 : memref<1x1x16xf32, #tpu.memory_space<hbm>> -> memref<1x16xf32, #tpu.memory_space<hbm>>
    %dma_wait3A_485 = arith.constant 0 : i32
    %dma_wait3A_486 = tpu.memref_slice %arg5[%add3A_231, %squeeze3A_233, %dma_wait3A_485] : memref<1024x1000x16xf32, #tpu.memory_space<hbm>> -> memref<1x1x16xf32, #tpu.memory_space<hbm>>
    %dma_wait3A_487 = tpu.memref_squeeze %dma_wait3A_486 : memref<1x1x16xf32, #tpu.memory_space<hbm>> -> memref<1x16xf32, #tpu.memory_space<hbm>>
    tpu.wait_dma2 semaphore(%arg9 : memref<!tpu.dma_semaphore, #tpu.memory_space<semaphore_mem>>) src(%arg7 : memref<1x16xf32, #tpu.memory_space<vmem>>) dst(%dma_wait3A_487 : memref<1x16xf32, #tpu.memory_space<hbm>>)
    %dma_wait3A_488 = arith.constant 0 : i32
    %dma_wait3A_489 = tpu.memref_slice %arg5[%add3A_241, %squeeze3A_243, %dma_wait3A_488] : memref<1024x1000x16xf32, #tpu.memory_space<hbm>> -> memref<1x1x16xf32, #tpu.memory_space<hbm>>
    %dma_wait3A_490 = tpu.memref_squeeze %dma_wait3A_489 : memref<1x1x16xf32, #tpu.memory_space<hbm>> -> memref<1x16xf32, #tpu.memory_space<hbm>>
    %dma_wait3A_491 = arith.constant 0 : i32
    %dma_wait3A_492 = tpu.memref_slice %arg5[%add3A_241, %squeeze3A_243, %dma_wait3A_491] : memref<1024x1000x16xf32, #tpu.memory_space<hbm>> -> memref<1x1x16xf32, #tpu.memory_space<hbm>>
    %dma_wait3A_493 = tpu.memref_squeeze %dma_wait3A_492 : memref<1x1x16xf32, #tpu.memory_space<hbm>> -> memref<1x16xf32, #tpu.memory_space<hbm>>
    tpu.wait_dma2 semaphore(%arg9 : memref<!tpu.dma_semaphore, #tpu.memory_space<semaphore_mem>>) src(%arg7 : memref<1x16xf32, #tpu.memory_space<vmem>>) dst(%dma_wait3A_493 : memref<1x16xf32, #tpu.memory_space<hbm>>)
    %dma_wait3A_494 = arith.constant 0 : i32
    %dma_wait3A_495 = tpu.memref_slice %arg5[%add3A_251, %squeeze3A_253, %dma_wait3A_494] : memref<1024x1000x16xf32, #tpu.memory_space<hbm>> -> memref<1x1x16xf32, #tpu.memory_space<hbm>>
    %dma_wait3A_496 = tpu.memref_squeeze %dma_wait3A_495 : memref<1x1x16xf32, #tpu.memory_space<hbm>> -> memref<1x16xf32, #tpu.memory_space<hbm>>
    %dma_wait3A_497 = arith.constant 0 : i32
    %dma_wait3A_498 = tpu.memref_slice %arg5[%add3A_251, %squeeze3A_253, %dma_wait3A_497] : memref<1024x1000x16xf32, #tpu.memory_space<hbm>> -> memref<1x1x16xf32, #tpu.memory_space<hbm>>
    %dma_wait3A_499 = tpu.memref_squeeze %dma_wait3A_498 : memref<1x1x16xf32, #tpu.memory_space<hbm>> -> memref<1x16xf32, #tpu.memory_space<hbm>>
    tpu.wait_dma2 semaphore(%arg9 : memref<!tpu.dma_semaphore, #tpu.memory_space<semaphore_mem>>) src(%arg7 : memref<1x16xf32, #tpu.memory_space<vmem>>) dst(%dma_wait3A_499 : memref<1x16xf32, #tpu.memory_space<hbm>>)
    %dma_wait3A_500 = arith.constant 0 : i32
    %dma_wait3A_501 = tpu.memref_slice %arg5[%add3A_261, %squeeze3A_263, %dma_wait3A_500] : memref<1024x1000x16xf32, #tpu.memory_space<hbm>> -> memref<1x1x16xf32, #tpu.memory_space<hbm>>
    %dma_wait3A_502 = tpu.memref_squeeze %dma_wait3A_501 : memref<1x1x16xf32, #tpu.memory_space<hbm>> -> memref<1x16xf32, #tpu.memory_space<hbm>>
    %dma_wait3A_503 = arith.constant 0 : i32
    %dma_wait3A_504 = tpu.memref_slice %arg5[%add3A_261, %squeeze3A_263, %dma_wait3A_503] : memref<1024x1000x16xf32, #tpu.memory_space<hbm>> -> memref<1x1x16xf32, #tpu.memory_space<hbm>>
    %dma_wait3A_505 = tpu.memref_squeeze %dma_wait3A_504 : memref<1x1x16xf32, #tpu.memory_space<hbm>> -> memref<1x16xf32, #tpu.memory_space<hbm>>
    tpu.wait_dma2 semaphore(%arg9 : memref<!tpu.dma_semaphore, #tpu.memory_space<semaphore_mem>>) src(%arg7 : memref<1x16xf32, #tpu.memory_space<vmem>>) dst(%dma_wait3A_505 : memref<1x16xf32, #tpu.memory_space<hbm>>)
    %dma_wait3A_506 = arith.constant 0 : i32
    %dma_wait3A_507 = tpu.memref_slice %arg5[%add3A_271, %squeeze3A_273, %dma_wait3A_506] : memref<1024x1000x16xf32, #tpu.memory_space<hbm>> -> memref<1x1x16xf32, #tpu.memory_space<hbm>>
    %dma_wait3A_508 = tpu.memref_squeeze %dma_wait3A_507 : memref<1x1x16xf32, #tpu.memory_space<hbm>> -> memref<1x16xf32, #tpu.memory_space<hbm>>
    %dma_wait3A_509 = arith.constant 0 : i32
    %dma_wait3A_510 = tpu.memref_slice %arg5[%add3A_271, %squeeze3A_273, %dma_wait3A_509] : memref<1024x1000x16xf32, #tpu.memory_space<hbm>> -> memref<1x1x16xf32, #tpu.memory_space<hbm>>
    %dma_wait3A_511 = tpu.memref_squeeze %dma_wait3A_510 : memref<1x1x16xf32, #tpu.memory_space<hbm>> -> memref<1x16xf32, #tpu.memory_space<hbm>>
    tpu.wait_dma2 semaphore(%arg9 : memref<!tpu.dma_semaphore, #tpu.memory_space<semaphore_mem>>) src(%arg7 : memref<1x16xf32, #tpu.memory_space<vmem>>) dst(%dma_wait3A_511 : memref<1x16xf32, #tpu.memory_space<hbm>>)
    %dma_wait3A_512 = arith.constant 0 : i32
    %dma_wait3A_513 = tpu.memref_slice %arg5[%add3A_281, %squeeze3A_283, %dma_wait3A_512] : memref<1024x1000x16xf32, #tpu.memory_space<hbm>> -> memref<1x1x16xf32, #tpu.memory_space<hbm>>
    %dma_wait3A_514 = tpu.memref_squeeze %dma_wait3A_513 : memref<1x1x16xf32, #tpu.memory_space<hbm>> -> memref<1x16xf32, #tpu.memory_space<hbm>>
    %dma_wait3A_515 = arith.constant 0 : i32
    %dma_wait3A_516 = tpu.memref_slice %arg5[%add3A_281, %squeeze3A_283, %dma_wait3A_515] : memref<1024x1000x16xf32, #tpu.memory_space<hbm>> -> memref<1x1x16xf32, #tpu.memory_space<hbm>>
    %dma_wait3A_517 = tpu.memref_squeeze %dma_wait3A_516 : memref<1x1x16xf32, #tpu.memory_space<hbm>> -> memref<1x16xf32, #tpu.memory_space<hbm>>
    tpu.wait_dma2 semaphore(%arg9 : memref<!tpu.dma_semaphore, #tpu.memory_space<semaphore_mem>>) src(%arg7 : memref<1x16xf32, #tpu.memory_space<vmem>>) dst(%dma_wait3A_517 : memref<1x16xf32, #tpu.memory_space<hbm>>)
    %dma_wait3A_518 = arith.constant 0 : i32
    %dma_wait3A_519 = tpu.memref_slice %arg5[%add3A_291, %squeeze3A_293, %dma_wait3A_518] : memref<1024x1000x16xf32, #tpu.memory_space<hbm>> -> memref<1x1x16xf32, #tpu.memory_space<hbm>>
    %dma_wait3A_520 = tpu.memref_squeeze %dma_wait3A_519 : memref<1x1x16xf32, #tpu.memory_space<hbm>> -> memref<1x16xf32, #tpu.memory_space<hbm>>
    %dma_wait3A_521 = arith.constant 0 : i32
    %dma_wait3A_522 = tpu.memref_slice %arg5[%add3A_291, %squeeze3A_293, %dma_wait3A_521] : memref<1024x1000x16xf32, #tpu.memory_space<hbm>> -> memref<1x1x16xf32, #tpu.memory_space<hbm>>
    %dma_wait3A_523 = tpu.memref_squeeze %dma_wait3A_522 : memref<1x1x16xf32, #tpu.memory_space<hbm>> -> memref<1x16xf32, #tpu.memory_space<hbm>>
    tpu.wait_dma2 semaphore(%arg9 : memref<!tpu.dma_semaphore, #tpu.memory_space<semaphore_mem>>) src(%arg7 : memref<1x16xf32, #tpu.memory_space<vmem>>) dst(%dma_wait3A_523 : memref<1x16xf32, #tpu.memory_space<hbm>>)
    %dma_wait3A_524 = arith.constant 0 : i32
    %dma_wait3A_525 = tpu.memref_slice %arg5[%add3A_301, %squeeze3A_303, %dma_wait3A_524] : memref<1024x1000x16xf32, #tpu.memory_space<hbm>> -> memref<1x1x16xf32, #tpu.memory_space<hbm>>
    %dma_wait3A_526 = tpu.memref_squeeze %dma_wait3A_525 : memref<1x1x16xf32, #tpu.memory_space<hbm>> -> memref<1x16xf32, #tpu.memory_space<hbm>>
    %dma_wait3A_527 = arith.constant 0 : i32
    %dma_wait3A_528 = tpu.memref_slice %arg5[%add3A_301, %squeeze3A_303, %dma_wait3A_527] : memref<1024x1000x16xf32, #tpu.memory_space<hbm>> -> memref<1x1x16xf32, #tpu.memory_space<hbm>>
    %dma_wait3A_529 = tpu.memref_squeeze %dma_wait3A_528 : memref<1x1x16xf32, #tpu.memory_space<hbm>> -> memref<1x16xf32, #tpu.memory_space<hbm>>
    tpu.wait_dma2 semaphore(%arg9 : memref<!tpu.dma_semaphore, #tpu.memory_space<semaphore_mem>>) src(%arg7 : memref<1x16xf32, #tpu.memory_space<vmem>>) dst(%dma_wait3A_529 : memref<1x16xf32, #tpu.memory_space<hbm>>)
    %dma_wait3A_530 = arith.constant 0 : i32
    %dma_wait3A_531 = tpu.memref_slice %arg5[%add3A_311, %squeeze3A_313, %dma_wait3A_530] : memref<1024x1000x16xf32, #tpu.memory_space<hbm>> -> memref<1x1x16xf32, #tpu.memory_space<hbm>>
    %dma_wait3A_532 = tpu.memref_squeeze %dma_wait3A_531 : memref<1x1x16xf32, #tpu.memory_space<hbm>> -> memref<1x16xf32, #tpu.memory_space<hbm>>
    %dma_wait3A_533 = arith.constant 0 : i32
    %dma_wait3A_534 = tpu.memref_slice %arg5[%add3A_311, %squeeze3A_313, %dma_wait3A_533] : memref<1024x1000x16xf32, #tpu.memory_space<hbm>> -> memref<1x1x16xf32, #tpu.memory_space<hbm>>
    %dma_wait3A_535 = tpu.memref_squeeze %dma_wait3A_534 : memref<1x1x16xf32, #tpu.memory_space<hbm>> -> memref<1x16xf32, #tpu.memory_space<hbm>>
    tpu.wait_dma2 semaphore(%arg9 : memref<!tpu.dma_semaphore, #tpu.memory_space<semaphore_mem>>) src(%arg7 : memref<1x16xf32, #tpu.memory_space<vmem>>) dst(%dma_wait3A_535 : memref<1x16xf32, #tpu.memory_space<hbm>>)
    %dma_wait3A_536 = arith.constant 0 : i32
    %dma_wait3A_537 = tpu.memref_slice %arg5[%add3A_321, %squeeze3A_323, %dma_wait3A_536] : memref<1024x1000x16xf32, #tpu.memory_space<hbm>> -> memref<1x1x16xf32, #tpu.memory_space<hbm>>
    %dma_wait3A_538 = tpu.memref_squeeze %dma_wait3A_537 : memref<1x1x16xf32, #tpu.memory_space<hbm>> -> memref<1x16xf32, #tpu.memory_space<hbm>>
    %dma_wait3A_539 = arith.constant 0 : i32
    %dma_wait3A_540 = tpu.memref_slice %arg5[%add3A_321, %squeeze3A_323, %dma_wait3A_539] : memref<1024x1000x16xf32, #tpu.memory_space<hbm>> -> memref<1x1x16xf32, #tpu.memory_space<hbm>>
    %dma_wait3A_541 = tpu.memref_squeeze %dma_wait3A_540 : memref<1x1x16xf32, #tpu.memory_space<hbm>> -> memref<1x16xf32, #tpu.memory_space<hbm>>
    tpu.wait_dma2 semaphore(%arg9 : memref<!tpu.dma_semaphore, #tpu.memory_space<semaphore_mem>>) src(%arg7 : memref<1x16xf32, #tpu.memory_space<vmem>>) dst(%dma_wait3A_541 : memref<1x16xf32, #tpu.memory_space<hbm>>)
    %dma_wait3A_542 = arith.constant 0 : i32
    %dma_wait3A_543 = tpu.memref_slice %arg5[%add3A_331, %squeeze3A_333, %dma_wait3A_542] : memref<1024x1000x16xf32, #tpu.memory_space<hbm>> -> memref<1x1x16xf32, #tpu.memory_space<hbm>>
    %dma_wait3A_544 = tpu.memref_squeeze %dma_wait3A_543 : memref<1x1x16xf32, #tpu.memory_space<hbm>> -> memref<1x16xf32, #tpu.memory_space<hbm>>
    %dma_wait3A_545 = arith.constant 0 : i32
    %dma_wait3A_546 = tpu.memref_slice %arg5[%add3A_331, %squeeze3A_333, %dma_wait3A_545] : memref<1024x1000x16xf32, #tpu.memory_space<hbm>> -> memref<1x1x16xf32, #tpu.memory_space<hbm>>
    %dma_wait3A_547 = tpu.memref_squeeze %dma_wait3A_546 : memref<1x1x16xf32, #tpu.memory_space<hbm>> -> memref<1x16xf32, #tpu.memory_space<hbm>>
    tpu.wait_dma2 semaphore(%arg9 : memref<!tpu.dma_semaphore, #tpu.memory_space<semaphore_mem>>) src(%arg7 : memref<1x16xf32, #tpu.memory_space<vmem>>) dst(%dma_wait3A_547 : memref<1x16xf32, #tpu.memory_space<hbm>>)
    %dma_wait3A_548 = arith.constant 0 : i32
    %dma_wait3A_549 = tpu.memref_slice %arg5[%add3A_341, %squeeze3A_343, %dma_wait3A_548] : memref<1024x1000x16xf32, #tpu.memory_space<hbm>> -> memref<1x1x16xf32, #tpu.memory_space<hbm>>
    %dma_wait3A_550 = tpu.memref_squeeze %dma_wait3A_549 : memref<1x1x16xf32, #tpu.memory_space<hbm>> -> memref<1x16xf32, #tpu.memory_space<hbm>>
    %dma_wait3A_551 = arith.constant 0 : i32
    %dma_wait3A_552 = tpu.memref_slice %arg5[%add3A_341, %squeeze3A_343, %dma_wait3A_551] : memref<1024x1000x16xf32, #tpu.memory_space<hbm>> -> memref<1x1x16xf32, #tpu.memory_space<hbm>>
    %dma_wait3A_553 = tpu.memref_squeeze %dma_wait3A_552 : memref<1x1x16xf32, #tpu.memory_space<hbm>> -> memref<1x16xf32, #tpu.memory_space<hbm>>
    tpu.wait_dma2 semaphore(%arg9 : memref<!tpu.dma_semaphore, #tpu.memory_space<semaphore_mem>>) src(%arg7 : memref<1x16xf32, #tpu.memory_space<vmem>>) dst(%dma_wait3A_553 : memref<1x16xf32, #tpu.memory_space<hbm>>)
    %dma_wait3A_554 = arith.constant 0 : i32
    %dma_wait3A_555 = tpu.memref_slice %arg5[%add3A_351, %squeeze3A_353, %dma_wait3A_554] : memref<1024x1000x16xf32, #tpu.memory_space<hbm>> -> memref<1x1x16xf32, #tpu.memory_space<hbm>>
    %dma_wait3A_556 = tpu.memref_squeeze %dma_wait3A_555 : memref<1x1x16xf32, #tpu.memory_space<hbm>> -> memref<1x16xf32, #tpu.memory_space<hbm>>
    %dma_wait3A_557 = arith.constant 0 : i32
    %dma_wait3A_558 = tpu.memref_slice %arg5[%add3A_351, %squeeze3A_353, %dma_wait3A_557] : memref<1024x1000x16xf32, #tpu.memory_space<hbm>> -> memref<1x1x16xf32, #tpu.memory_space<hbm>>
    %dma_wait3A_559 = tpu.memref_squeeze %dma_wait3A_558 : memref<1x1x16xf32, #tpu.memory_space<hbm>> -> memref<1x16xf32, #tpu.memory_space<hbm>>
    tpu.wait_dma2 semaphore(%arg9 : memref<!tpu.dma_semaphore, #tpu.memory_space<semaphore_mem>>) src(%arg7 : memref<1x16xf32, #tpu.memory_space<vmem>>) dst(%dma_wait3A_559 : memref<1x16xf32, #tpu.memory_space<hbm>>)
    %dma_wait3A_560 = arith.constant 0 : i32
    %dma_wait3A_561 = tpu.memref_slice %arg5[%add3A_361, %squeeze3A_363, %dma_wait3A_560] : memref<1024x1000x16xf32, #tpu.memory_space<hbm>> -> memref<1x1x16xf32, #tpu.memory_space<hbm>>
    %dma_wait3A_562 = tpu.memref_squeeze %dma_wait3A_561 : memref<1x1x16xf32, #tpu.memory_space<hbm>> -> memref<1x16xf32, #tpu.memory_space<hbm>>
    %dma_wait3A_563 = arith.constant 0 : i32
    %dma_wait3A_564 = tpu.memref_slice %arg5[%add3A_361, %squeeze3A_363, %dma_wait3A_563] : memref<1024x1000x16xf32, #tpu.memory_space<hbm>> -> memref<1x1x16xf32, #tpu.memory_space<hbm>>
    %dma_wait3A_565 = tpu.memref_squeeze %dma_wait3A_564 : memref<1x1x16xf32, #tpu.memory_space<hbm>> -> memref<1x16xf32, #tpu.memory_space<hbm>>
    tpu.wait_dma2 semaphore(%arg9 : memref<!tpu.dma_semaphore, #tpu.memory_space<semaphore_mem>>) src(%arg7 : memref<1x16xf32, #tpu.memory_space<vmem>>) dst(%dma_wait3A_565 : memref<1x16xf32, #tpu.memory_space<hbm>>)
    %dma_wait3A_566 = arith.constant 0 : i32
    %dma_wait3A_567 = tpu.memref_slice %arg5[%add3A_371, %squeeze3A_373, %dma_wait3A_566] : memref<1024x1000x16xf32, #tpu.memory_space<hbm>> -> memref<1x1x16xf32, #tpu.memory_space<hbm>>
    %dma_wait3A_568 = tpu.memref_squeeze %dma_wait3A_567 : memref<1x1x16xf32, #tpu.memory_space<hbm>> -> memref<1x16xf32, #tpu.memory_space<hbm>>
    %dma_wait3A_569 = arith.constant 0 : i32
    %dma_wait3A_570 = tpu.memref_slice %arg5[%add3A_371, %squeeze3A_373, %dma_wait3A_569] : memref<1024x1000x16xf32, #tpu.memory_space<hbm>> -> memref<1x1x16xf32, #tpu.memory_space<hbm>>
    %dma_wait3A_571 = tpu.memref_squeeze %dma_wait3A_570 : memref<1x1x16xf32, #tpu.memory_space<hbm>> -> memref<1x16xf32, #tpu.memory_space<hbm>>
    tpu.wait_dma2 semaphore(%arg9 : memref<!tpu.dma_semaphore, #tpu.memory_space<semaphore_mem>>) src(%arg7 : memref<1x16xf32, #tpu.memory_space<vmem>>) dst(%dma_wait3A_571 : memref<1x16xf32, #tpu.memory_space<hbm>>)
    return
  }
}

module attributes {stable_mosaic.version = 14 : i64} {
  func.func @_tc_body(%arg0: i32, %arg1: memref<32x1xi32, #tpu.memory_space<vmem>>, %arg2: memref<32x1xi32, #tpu.memory_space<vmem>>, %arg3: memref<32x1xi32, #tpu.memory_space<vmem>>, %arg4: memref<2x16000xf32, #tpu.memory_space<vmem>>, %arg5: memref<2x16000xf32, #tpu.memory_space<vmem>>, %arg6: memref<2x16000xf32, #tpu.memory_space<vmem>>, %arg7: memref<32x16000xf32, #tpu.memory_space<vmem>>, %arg8: memref<32x16000xf32, #tpu.memory_space<vmem>>, %arg9: memref<32x16000xf32, #tpu.memory_space<vmem>>) attributes {dimension_semantics = [#tpu.dimension_semantics<arbitrary>], iteration_bounds = array<i64: 32>, scalar_prefetch = 0 : i64, scratch_operands = 0 : i64, tpu.core_type = #tpu.core_type<tc>, window_params = [{transform_indices = @transform_0, window_bounds = array<i64: 32, 1>}, {transform_indices = @transform_1, window_bounds = array<i64: 32, 1>}, {transform_indices = @transform_2, window_bounds = array<i64: 32, 1>}, {pipeline_mode = #tpu.pipeline_mode<synchronous>, transform_indices = @transform_3, window_bounds = array<i64: 2, 16000>}, {pipeline_mode = #tpu.pipeline_mode<synchronous>, transform_indices = @transform_4, window_bounds = array<i64: 2, 16000>}, {pipeline_mode = #tpu.pipeline_mode<synchronous>, transform_indices = @transform_5, window_bounds = array<i64: 2, 16000>}, {transform_indices = @transform_6, window_bounds = array<i64: 32, 16000>}, {transform_indices = @transform_7, window_bounds = array<i64: 32, 16000>}, {transform_indices = @transform_8, window_bounds = array<i64: 32, 16000>}]} {
    %iota3A = tpu.iota {dimensions = array<i32: 1>} : vector<32x16000xi32>
    %shift_right_logical3A = arith.constant 4 : i32
    %shift_right_logical3A_0 = vector.broadcast %shift_right_logical3A : i32 to vector<32x16000xi32>
    %shift_right_logical3A_1 = arith.shrui %iota3A, %shift_right_logical3A_0 : vector<32x16000xi32>
    %get3A = arith.constant 0 : index
    %get3A_2 = arith.constant 0 : index
    %get3A_3 = vector.load %arg1[%get3A, %get3A_2] : memref<32x1xi32, #tpu.memory_space<vmem>>, vector<32x1xi32>
    %eq3A = vector.broadcast %get3A_3 : vector<32x1xi32> to vector<32x16000xi32>
    %eq3A_4 = arith.cmpi eq, %shift_right_logical3A_1, %eq3A : vector<32x16000xi32>
    %get3A_5 = arith.constant 1 : index
    %get3A_6 = arith.constant 0 : index
    %get3A_7 = vector.load %arg4[%get3A_5, %get3A_6] : memref<2x16000xf32, #tpu.memory_space<vmem>>, vector<1x16000xf32>
    %get3A_8 = arith.constant 0 : index
    %get3A_9 = arith.constant 0 : index
    %get3A_10 = vector.load %arg4[%get3A_8, %get3A_9] : memref<2x16000xf32, #tpu.memory_space<vmem>>, vector<1x16000xf32>
    %broadcast_in_dim3A = vector.shape_cast %get3A_7 : vector<1x16000xf32> to vector<1x16000xf32>
    %broadcast_in_dim3A_11 = vector.broadcast %broadcast_in_dim3A : vector<1x16000xf32> to vector<32x16000xf32>
    %broadcast_in_dim3A_12 = vector.shape_cast %get3A_10 : vector<1x16000xf32> to vector<1x16000xf32>
    %broadcast_in_dim3A_13 = vector.broadcast %broadcast_in_dim3A_12 : vector<1x16000xf32> to vector<32x16000xf32>
    %select_n3A = arith.select %eq3A_4, %broadcast_in_dim3A_11, %broadcast_in_dim3A_13 : vector<32x16000xi1>, vector<32x16000xf32>
    %swap3A = arith.constant 0 : index
    %swap3A_14 = arith.constant 0 : index
    %swap3A_15 = vector.load %arg7[%swap3A, %swap3A_14] : memref<32x16000xf32, #tpu.memory_space<vmem>>, vector<32x16000xf32>
    tpu.vector_store %arg7[%swap3A, %swap3A_14], %select_n3A {strides = array<i32>} : memref<32x16000xf32, #tpu.memory_space<vmem>>, vector<32x16000xf32>,
    %get3A_16 = arith.constant 0 : index
    %get3A_17 = arith.constant 0 : index
    %get3A_18 = vector.load %arg2[%get3A_16, %get3A_17] : memref<32x1xi32, #tpu.memory_space<vmem>>, vector<32x1xi32>
    %eq3A_19 = vector.broadcast %get3A_18 : vector<32x1xi32> to vector<32x16000xi32>
    %eq3A_20 = arith.cmpi eq, %shift_right_logical3A_1, %eq3A_19 : vector<32x16000xi32>
    %get3A_21 = arith.constant 1 : index
    %get3A_22 = arith.constant 0 : index
    %get3A_23 = vector.load %arg5[%get3A_21, %get3A_22] : memref<2x16000xf32, #tpu.memory_space<vmem>>, vector<1x16000xf32>
    %get3A_24 = arith.constant 0 : index
    %get3A_25 = arith.constant 0 : index
    %get3A_26 = vector.load %arg5[%get3A_24, %get3A_25] : memref<2x16000xf32, #tpu.memory_space<vmem>>, vector<1x16000xf32>
    %broadcast_in_dim3A_27 = vector.shape_cast %get3A_23 : vector<1x16000xf32> to vector<1x16000xf32>
    %broadcast_in_dim3A_28 = vector.broadcast %broadcast_in_dim3A_27 : vector<1x16000xf32> to vector<32x16000xf32>
    %broadcast_in_dim3A_29 = vector.shape_cast %get3A_26 : vector<1x16000xf32> to vector<1x16000xf32>
    %broadcast_in_dim3A_30 = vector.broadcast %broadcast_in_dim3A_29 : vector<1x16000xf32> to vector<32x16000xf32>
    %select_n3A_31 = arith.select %eq3A_20, %broadcast_in_dim3A_28, %broadcast_in_dim3A_30 : vector<32x16000xi1>, vector<32x16000xf32>
    %swap3A_32 = arith.constant 0 : index
    %swap3A_33 = arith.constant 0 : index
    %swap3A_34 = vector.load %arg8[%swap3A_32, %swap3A_33] : memref<32x16000xf32, #tpu.memory_space<vmem>>, vector<32x16000xf32>
    tpu.vector_store %arg8[%swap3A_32, %swap3A_33], %select_n3A_31 {strides = array<i32>} : memref<32x16000xf32, #tpu.memory_space<vmem>>, vector<32x16000xf32>,
    %get3A_35 = arith.constant 0 : index
    %get3A_36 = arith.constant 0 : index
    %get3A_37 = vector.load %arg3[%get3A_35, %get3A_36] : memref<32x1xi32, #tpu.memory_space<vmem>>, vector<32x1xi32>
    %eq3A_38 = vector.broadcast %get3A_37 : vector<32x1xi32> to vector<32x16000xi32>
    %eq3A_39 = arith.cmpi eq, %shift_right_logical3A_1, %eq3A_38 : vector<32x16000xi32>
    %get3A_40 = arith.constant 1 : index
    %get3A_41 = arith.constant 0 : index
    %get3A_42 = vector.load %arg6[%get3A_40, %get3A_41] : memref<2x16000xf32, #tpu.memory_space<vmem>>, vector<1x16000xf32>
    %get3A_43 = arith.constant 0 : index
    %get3A_44 = arith.constant 0 : index
    %get3A_45 = vector.load %arg6[%get3A_43, %get3A_44] : memref<2x16000xf32, #tpu.memory_space<vmem>>, vector<1x16000xf32>
    %broadcast_in_dim3A_46 = vector.shape_cast %get3A_42 : vector<1x16000xf32> to vector<1x16000xf32>
    %broadcast_in_dim3A_47 = vector.broadcast %broadcast_in_dim3A_46 : vector<1x16000xf32> to vector<32x16000xf32>
    %broadcast_in_dim3A_48 = vector.shape_cast %get3A_45 : vector<1x16000xf32> to vector<1x16000xf32>
    %broadcast_in_dim3A_49 = vector.broadcast %broadcast_in_dim3A_48 : vector<1x16000xf32> to vector<32x16000xf32>
    %select_n3A_50 = arith.select %eq3A_39, %broadcast_in_dim3A_47, %broadcast_in_dim3A_49 : vector<32x16000xi1>, vector<32x16000xf32>
    %swap3A_51 = arith.constant 0 : index
    %swap3A_52 = arith.constant 0 : index
    %swap3A_53 = vector.load %arg9[%swap3A_51, %swap3A_52] : memref<32x16000xf32, #tpu.memory_space<vmem>>, vector<32x16000xf32>
    tpu.vector_store %arg9[%swap3A_51, %swap3A_52], %select_n3A_50 {strides = array<i32>} : memref<32x16000xf32, #tpu.memory_space<vmem>>, vector<32x16000xf32>,
    return
  }
  func.func @transform_0(%arg0: i32) -> (i32, i32) {
    %c0_i32 = arith.constant 0 : i32
    %c0_i32_0 = arith.constant 0 : i32
    return %arg0, %c0_i32 : i32, i32
  }
  func.func @transform_1(%arg0: i32) -> (i32, i32) {
    %c0_i32 = arith.constant 0 : i32
    %c0_i32_0 = arith.constant 0 : i32
    return %arg0, %c0_i32 : i32, i32
  }
  func.func @transform_2(%arg0: i32) -> (i32, i32) {
    %c0_i32 = arith.constant 0 : i32
    %c0_i32_0 = arith.constant 0 : i32
    return %arg0, %c0_i32 : i32, i32
  }
  func.func @transform_3(%arg0: i32) -> (i32, i32) {
    %c0_i32 = arith.constant 0 : i32
    %c0_i32_0 = arith.constant 0 : i32
    %c0_i32_1 = arith.constant 0 : i32
    return %c0_i32, %c0_i32_0 : i32, i32
  }
  func.func @transform_4(%arg0: i32) -> (i32, i32) {
    %c0_i32 = arith.constant 0 : i32
    %c0_i32_0 = arith.constant 0 : i32
    %c0_i32_1 = arith.constant 0 : i32
    return %c0_i32, %c0_i32_0 : i32, i32
  }
  func.func @transform_5(%arg0: i32) -> (i32, i32) {
    %c0_i32 = arith.constant 0 : i32
    %c0_i32_0 = arith.constant 0 : i32
    %c0_i32_1 = arith.constant 0 : i32
    return %c0_i32, %c0_i32_0 : i32, i32
  }
  func.func @transform_6(%arg0: i32) -> (i32, i32) {
    %c0_i32 = arith.constant 0 : i32
    %c0_i32_0 = arith.constant 0 : i32
    return %arg0, %c0_i32 : i32, i32
  }
  func.func @transform_7(%arg0: i32) -> (i32, i32) {
    %c0_i32 = arith.constant 0 : i32
    %c0_i32_0 = arith.constant 0 : i32
    return %arg0, %c0_i32 : i32, i32
  }
  func.func @transform_8(%arg0: i32) -> (i32, i32) {
    %c0_i32 = arith.constant 0 : i32
    %c0_i32_0 = arith.constant 0 : i32
    return %arg0, %c0_i32 : i32, i32
  }
}

</mosaic_0001>

<sc_bundles>
// kernel: kernel.4.cloned.1.call-start
scs
__scs_entry_jumppad:
0x0: {  	(pc) =	sbr.rel $0x88, $3  }
0x1: {  	(tag) =	ssettag $0x0;
	lr =	simm.s32 $0x1  }
0x2: {  	[smem:$0x3F99] =	sst lr;
	_ =	strace $0xD0000000  }
0x3: {  	_ = 	snop  }
0x4: {  	_ = 	snop  }
0x5: {  	_ = 	snop  }
0x6: {  	_ = 	snop  }
0x7: {  	_ = 	snop  }
__scs_overlays_trampoline_lowered:
0x8: {  	[smem:$0x3FA8] =	sst s0  }
0x9: {  	[smem:$0x3FA9] =	sst s1  }
0xa: {  	[smem:$0x3FAA] =	sst s2  }
0xb: {  	[smem:$0x3FAB] =	sst s3  }
0xc: {  	[smem:$0x3FAC] =	sst s4  }
0xd: {  	[smem:$0x3FAD] =	sst s5  }
0xe: {  	[smem:$0x3FAE] =	sst s6  }
0xf: {  	[smem:$0x3FAF] =	sst s7  }
0x10: {  	[smem:$0x3FB0] =	sst s8  }
0x11: {  	[smem:$0x3FB1] =	sst s9;
	s0 =	simm.s32 @!p0 $0x0  }
0x12: {  	s1 =	sld [smem:$0x3F97];
	s0 =	simm.s32 @p0 $0x1  }
0x13: {  	[smem:$0x3FB2] =	sst s0;
	s0 =	simm.s32 @!p1 $0x0  }
0x14: {  	s2 =	sld [smem:$0x3F96];
	s0 =	simm.s32 @p1 $0x1  }
0x15: {  	[smem:$0x3FB3] =	sst s0;
	s0 =	simm.s32 @!p2 $0x0  }
0x16: {  	s3 =	sld [smem:$0x3FDB];
	s0 =	simm.s32 @p2 $0x1  }
0x17: {  	s4 =	simm.s32 $0x1BF5;
	[smem:$0x3FB5] =	sst s0  }
0x18: {  	s0 =	sld [smem:$0x3F98];
	_ =	swait.ge [sflag:s4], $0x0  }
0x19: {  	s7 =	sld [smem:$0x3F99]  }
0x1a: {  	s8 =	sadd.s32 $0xFFFFE003, lr  }
0x1b: {  	s9 =	sadd.s32 $0xFFFFFEF7, lr;
	s5 =	simm.s32 $0xFFFFFFFF;
	p2 =	slt.u32 s8, $0xFFFFF086  }
0x1c: {  	p1 =	slt.u32 s9, $0xF7A;
	s5 =	simm.s32 @!p2 $0x0  }
0x1d: {  	s5 =	simm.s32 @p1 $0x1;
	p0 =	seq.s32 s7, s2  }
0x1e: {  	s7 =	smul.u32 @!p0 $0xF7A, s2;
	p2 =	seq.s32 @!p0 s5, $0x0  }
0x1f: {  	s9 =	smul.u32 $0xF7A, s1;
	s8 =	simm.s32 @!p0 $0x1BF5;
	p2 =	por !p2, p0  }
0x20: {  	[sflag:s8] =	ssyncset.s32 @!p0 $0xFFFFF086;
	s6 =	sadd.s32 @!p0 s3, s7;
	s7 =	simm.s32 @!p0 $0x108  }
0x21: {  	s3 =	sadd.s32 s3, s9;
	s6 =	sadd.s32 @!p0 $0x88, s6;
	s7 =	simm.s32 @p2 $0x1082  }
0x22: {  	[simem:s7], [sflag:s8] =	dma.local @!p0 [hbm:s6], $0xF7A  }
0x23: {  	s9 =	sor.u32 $0xD0000000, s2;
	s6 =	simm.s32 $0x108;
	_ =	swait.ge @!p0 [sflag:s8], $0x0  }
0x24: {  	s3 =	sadd.s32 $0x88, s3;
	s6 =	simm.s32 @!p1 $0x1082;
	[sflag:s4] =	ssyncset.s32 $0xFFFFF086  }
0x25: {  	[simem:s6], [sflag:s4] =	dma.local [hbm:s3], $0xF7A  }
0x26: {  	[smem:$0x3F99] =	sst s1;
	(tag) =	ssettag s2;
	_ =	strace s9  }
0x27: {  	s1 =	sld [smem:$0x3FA9]  }
0x28: {  	s2 =	sld [smem:$0x3FAA]  }
0x29: {  	s4 =	sld [smem:$0x3FAC]  }
0x2a: {  	p0 =	seq.s32 s5, $0x0;
	s5 =	sld [smem:$0x3FAD]  }
0x2b: {  	s6 =	sld [smem:$0x3FAE]  }
0x2c: {  	s7 =	sld [smem:$0x3FAF]  }
0x2d: {  	s3 =	simm.s32 $0x108;
	s8 =	sld [smem:$0x3FB0]  }
0x2e: {  	s3 =	simm.s32 @!p0 $0x1082;
	s9 =	sld [smem:$0x3FB1]  }
0x2f: {  	lr =	sadd.s32 s0, s3;
	s0 =	sld [smem:$0x3FA8]  }
0x30: {  	s3 =	sld [smem:$0x3FAB]  }
0x31: {  	[smem:$0x3FB4] =	sst s10  }
0x32: {  	s10 =	sld [smem:$0x3FB2];
	_ =	sdelay $0x3  }
0x33: {  	p0 =	seq.s32 s10, $0x1;
	s10 =	sld [smem:$0x3FB4];
	_ =	sdelay $0x3  }
0x34: {  	[smem:$0x3FB4] =	sst s10  }
0x35: {  	s10 =	sld [smem:$0x3FB3];
	_ =	sdelay $0x3  }
0x36: {  	p1 =	seq.s32 s10, $0x1;
	s10 =	sld [smem:$0x3FB4];
	_ =	sdelay $0x3  }
0x37: {  	[smem:$0x3FB4] =	sst s10  }
0x38: {  	s10 =	sld [smem:$0x3FB5]  }
0x39: {  	_ = 	snop;
	(pc) =	sbr.ind lr, $3  }
0x3a: {  	_ = 	snop  }
0x3b: {  	_ = 	snop  }
0x3c: {  	p2 =	seq.s32 s10, $0x1;
	s10 =	sld [smem:$0x3FB4]  }
0x3d: {  	_ =	shalt  }
0x3e: {  	_ =	shalt  }
0x3f: {  	_ =	shalt  }
0x40: {  	_ =	shalt  }
0x41: {  	_ =	shalt  }
0x42: {  	_ =	shalt  }
0x43: {  	_ =	shalt  }
0x44: {  	_ =	shalt  }
0x45: {  	_ =	shalt  }
0x46: {  	_ =	shalt  }
0x47: {  	_ =	shalt  }
0x48: {  	_ =	shalt  }
0x49: {  	_ =	shalt  }
0x4a: {  	_ =	shalt  }
0x4b: {  	_ =	shalt  }
0x4c: {  	_ =	shalt  }
0x4d: {  	_ =	shalt  }
0x4e: {  	_ =	shalt  }
0x4f: {  	_ =	shalt  }
0x50: {  	_ =	shalt  }
0x51: {  	_ =	shalt  }
0x52: {  	_ =	shalt  }
0x53: {  	_ =	shalt  }
0x54: {  	_ =	shalt  }
0x55: {  	_ =	shalt  }
0x56: {  	_ =	shalt  }
0x57: {  	_ =	shalt  }
0x58: {  	_ =	shalt  }
0x59: {  	_ =	shalt  }
0x5a: {  	_ =	shalt  }
0x5b: {  	_ =	shalt  }
0x5c: {  	_ =	shalt  }
0x5d: {  	_ =	shalt  }
0x5e: {  	_ =	shalt  }
0x5f: {  	_ =	shalt  }
0x60: {  	_ =	shalt  }
0x61: {  	_ =	shalt  }
0x62: {  	_ =	shalt  }
0x63: {  	_ =	shalt  }
0x64: {  	_ =	shalt  }
0x65: {  	_ =	shalt  }
0x66: {  	_ =	shalt  }
0x67: {  	_ =	shalt  }
0x68: {  	_ =	shalt  }
0x69: {  	_ =	shalt  }
0x6a: {  	_ =	shalt  }
0x6b: {  	_ =	shalt  }
0x6c: {  	_ =	shalt  }
0x6d: {  	_ =	shalt  }
0x6e: {  	_ =	shalt  }
0x6f: {  	_ =	shalt  }
0x70: {  	_ =	shalt  }
0x71: {  	_ =	shalt  }
0x72: {  	_ =	shalt  }
0x73: {  	_ =	shalt  }
0x74: {  	_ =	shalt  }
0x75: {  	_ =	shalt  }
0x76: {  	_ =	shalt  }
0x77: {  	_ =	shalt  }
0x78: {  	_ =	shalt  }
0x79: {  	_ =	shalt  }
0x7a: {  	_ =	shalt  }
0x7b: {  	_ =	shalt  }
0x7c: {  	_ =	shalt  }
0x7d: {  	_ =	shalt  }
0x7e: {  	_ =	shalt  }
0x7f: {  	_ =	shalt  }
0x80: {  	_ =	shalt  }
0x81: {  	_ =	shalt  }
0x82: {  	_ =	shalt  }
0x83: {  	_ =	shalt  }
0x84: {  	_ =	shalt  }
0x85: {  	_ =	shalt  }
0x86: {  	_ =	shalt  }
0x87: {  	_ =	shalt  }
.Lfunc_end0:
.L_simem_size_0:
called_computation.1_lowered:
.L_overlay_start_0:
0x88: {  	s2 =	sld [smem:$0x3FD9]  }
0x89: {  	s3 =	sld [smem:$0x3FFE];
	_ =	sdelay $0x1  }
0x8a: {  	s1 =	srdreg.scid  }
0x8b: {  	s0 =	sand.u32 $0x1, s1  }
0x8c: {  	s14 =	sshll.u32 s0, $0xA;
	s2 =	sadd.s32 s3, s2  }
0x8d: {  	s2 =	sadd.s32 s2, s14  }
0x8e: {  	[smem:$0x3FC0] =	sst s2  }
0x8f: {  	_ = 	snop  }
0x90: {  	s2 =	sld [smem:$0x3FD0];
	_ =	sdelay $0x2  }
0x91: {  	s4 =	simm.s32 $0xA;
	s5 =	simm.s32 $0x10;
	s15 =	sld [smem:$0x3FC6]  }
0x92: {  	[smem:s5], [sflag:s4] =	dma.local [hbm:s2], $0x1  }
0x93: {  	_ =	swait.eq [sflag:s4], $0x1  }
0x94: {  	[sflag:s4] =	ssyncset.done $0x0  }
0x95: {  	[sflag:s4] =	ssyncadd.s32 $0xFFFFFFFF  }
0x96: {  	s16 =	sld [smem:$0x13];
	(tm) =	ssettm $0x1  }
0x97: {  	s17 =	sld [smem:$0x3FFB];
	_ =	sdelay $0x3  }
0x98: {  	_ =	strace s17  }
0x99: {  	s4 =	sld [smem:$0x3FFC];
	_ =	sdelay $0x3  }
0x9a: {  	_ =	strace s4  }
0x9b: {  	s4 =	sld [smem:$0x3FFD];
	_ =	sdelay $0x3  }
0x9c: {  	_ =	strace s4  }
0x9d: {  	_ =	strace $0x8FFFFFFF  }
0x9e: {  	s18 =	sld [smem:$0x3FDB];
	_ =	sdelay $0x1  }
0x9f: {  	s19 =	simm.s32 $_scs_section_size  }
0xa0: {  	s6 =	simm.s32 $_size__tile_overlayer_lowered;
	s7 =	simm.s32 $_tile_overlayer_lowered  }
0xa1: {  	s22 =	simm.s32 $0x1BFF;
	s21 =	sshll.u32 s7, $0x1;
	s4 =	sadd.s32 s19, s18  }
0xa2: {  	s8 =	simm.s32 $0x0;
	s20 =	sshll.u32 s6, $0x1;
	s6 =	sadd.s32 s21, s4  }
0xa3: {  	[timem:s8], [sflag:s22] =	dma.local [hbm:s6], s20  }
0xa4: {  	_ =	swait.ge [sflag:s22], s20  }
0xa5: {  	s5 =	ssub.s32 $0x0, s20;
	[sflag:s22] =	ssyncset.done $0x0  }
0xa6: {  	[sflag:s22] =	ssyncadd.s32 s5;
	_ =	sdelay $0x1  }
0xa7: {  	s23 =	simm.s32 $0x1B8B  }
0xa8: {  	_ =	swait.ge [sflag:s23], $0x1  }
0xa9: {  	[sflag:s23] =	ssyncset.done $0x0  }
0xaa: {  	s25 =	simm.s32 $0x1B8E;
	s24 =	sld [smem:$0x3FFE];
	[sflag:s23] =	ssyncadd.s32 $0xFFFFFFFF  }
0xab: {  	s26 =	simm.s32 $execute0_lowered;
	[smem:$0x3FD2] =	sst s25  }
0xac: {  	s6 =	sshll.u32 s26, $0x1;
	_ =	strace $0x80000046;
	[dreg:$0x1] =	wrdreg $0xFFFFFFFF  }
0xad: {  	s28 =	simm.s32 $_size_execute0_lowered;
	s4 =	sadd.s32 s4, s6;
	[dreg:$0x0] =	wrdreg $0x0  }
0xae: {  	s6 =	sshll.u32 s28, $0x1;
	[dreg:$0x2] =	wrdreg s4  }
0xaf: {  	[dreg:$0x3] =	wrdreg s6  }
0xb0: {  	[dreg:$0x4] =	wrdreg $0xC0  }
0xb1: {  	_ =	task [dreg:s8], $0x5FFFF  }
0xb2: {  	[dreg:$0x1] =	wrdreg $0xFFFFFFFF  }
0xb3: {  	[dreg:$0x0] =	wrdreg $0x60  }
0xb4: {  	[dreg:$0x2] =	wrdreg s15  }
0xb5: {  	[dreg:$0x3] =	wrdreg s24  }
0xb6: {  	[dreg:$0x4] =	wrdreg s16  }
0xb7: {  	[dreg:$0x5] =	wrdreg $0x9  }
0xb8: {  	_ =	task.clear_ibuf [dreg:s8], $0x6FFFF;
	_ =	strace $0x90000046  }
0xb9: {  	s29 =	simm.s32 $0x9;
	_ =	strace $0x80000048  }
0xba: {  	_ =	swait.ge [sflag:s29], $0x1  }
0xbb: {  	[sflag:s29] =	ssyncadd.s32 $0xFFFFFFFF  }
0xbc: {  	_ =	strace $0x90000048  }
0xbd: {  	_ =	sfence  }
0xbe: {  	s30 =	sld [smem:$0x0];
	_ =	sdelay $0x2  }
0xbf: {  	s31 =	sshll.u32 s1, $0xD;
	s1 =	sshrl.u32 s1, $0x2  }
0xc0: {  	s3 =	sand.u32 $0x4000, s31;
	s1 =	sadd.s32 s1, s30  }
0xc1: {  	s0 =	sor.u32 s3, s0;
	s1 =	sshll.u32 s1, $0x11  }
0xc2: {  	s0 =	sor.u32 s1, s0  }
0xc3: {  	s0 =	sadd.s32 $0x8F2B, s0  }
0xc4: {  	[sflag:s0] =	ssyncadd.remote.s32 $0x1  }
0xc5: {  	_ =	sfence.sel $0xFFFF  }
0xc6: {  	[dreg:$0x0] =	wrdreg $0xFFFFFFFF;
	(pc) =	sbr.abs _section_cstart, $3  }
0xc7: {  	[dreg:$0x1] =	wrdreg $0xFFFFFFFF  }
0xc8: {  	_ =	task.clear_ibuf [dreg:s8], $0x2FFFF;
	_ =	strace $0x9FFFFFFF  }
0xc9: {  	(tm) =	ssettm $0x7FFFFFFF  }
tec
execute0_lowered:
.L_overlay_start_1:
0x0: {  	(tag) =	ssettag $0x1  }
0x1: {  	s5 =	rddreg [dreg:$0x0]  }
0x2: {  	s6 =	rddreg [dreg:$0x1]  }
0x3: {  	s2 =	rddreg [dreg:$0x2];
	s3 =	srdreg.scid  }
0x4: {  	s0 =	rddreg [dreg:$0x3];
	s1 =	stileid.u32  }
0x5: {  	s11 =	sand.u32 $0x1, s3;
	s3 =	simm.s32 $0x0;
	s4 =	sshll.u32 s1, $0x6  }
0x6: {  	s8 =	sadd.s32 $0x600, s6;
	s7 =	sshll.u32 s11, $0x5;
	[smem:$0x7FF] =	sst s3  }
0x7: {  	s6 =	sadd.s32 $0x400, s6;
	s7 =	sor.u32 s7, s4;
	_ =	strace $0x80000047  }
0x8: {  	[dreg:$0x4] =	wrdreg s8;
	s4 =	smul.u32 $0x3E80, s7;
	s7 =	sshrl.u32 s7, $0x3  }
0x9: {  	[dreg:$0x5] =	wrdreg s6;
	s5 =	sadd.s32 s5, s7  }
0xa: {  	[dreg:$0x6] =	wrdreg s5;
	s12 =	sadd.s32 $0x3E80, s4  }
0xb: {  	s13 =	sadd.s32 $0x7D00, s4;
	[dreg:$0xb] =	wrdreg s12  }
0xc: {  	s14 =	sadd.s32 $0xBB80, s4;
	[dreg:$0xc] =	wrdreg s13  }
0xd: {  	s15 =	sadd.s32 $0xFA00, s4;
	[dreg:$0xd] =	wrdreg s14  }
0xe: {  	s16 =	sadd.s32 $0x13880, s4;
	[dreg:$0xe] =	wrdreg s15  }
0xf: {  	s17 =	sadd.s32 $0x17700, s4;
	[dreg:$0xf] =	wrdreg s16  }
0x10: {  	s18 =	sadd.s32 $0x1B580, s4;
	[dreg:$0x10] =	wrdreg s17  }
0x11: {  	s19 =	sadd.s32 $0x23280, s4;
	[dreg:$0x11] =	wrdreg s18  }
0x12: {  	s20 =	sadd.s32 $0x27100, s4;
	[dreg:$0x12] =	wrdreg s19  }
0x13: {  	s21 =	sadd.s32 $0x2AF80, s4;
	[dreg:$0x13] =	wrdreg s20  }
0x14: {  	s22 =	sadd.s32 $0x2EE00, s4;
	[dreg:$0x14] =	wrdreg s21  }
0x15: {  	s23 =	sadd.s32 $0x32C80, s4;
	[dreg:$0x15] =	wrdreg s22  }
0x16: {  	s24 =	sadd.s32 $0x36B00, s4;
	[dreg:$0x16] =	wrdreg s23  }
0x17: {  	s25 =	sadd.s32 $0x3A980, s4;
	[dreg:$0x17] =	wrdreg s24  }
0x18: {  	s26 =	sshrl.u32 s4, $0x3;
	[dreg:$0x18] =	wrdreg s25  }
0x19: {  	s6 =	sadd.s32 s2, s26;
	s19 =	rddreg [dreg:$0x4]  }
0x1a: {  	s26 =	sadd.s32 $0x42680, s4;
	[dreg:$0x7] =	wrdreg s6  }
0x1b: {  	s12 =	sadd.s32 $0x61A80, s4;
	[dreg:$0x19] =	wrdreg s26  }
0x1c: {  	s13 =	sadd.s32 $0x65900, s4;
	[smem:$0x7F7] =	sst s12  }
0x1d: {  	s14 =	sadd.s32 $0x69780, s4;
	[smem:$0x7F8] =	sst s13  }
0x1e: {  	s15 =	sadd.s32 $0x6D600, s4;
	[smem:$0x7F9] =	sst s14  }
0x1f: {  	s5 =	sadd.s32 $0x1F400, s4;
	s16 =	sadd.s32 $0x71480, s4;
	[smem:$0x7FA] =	sst s15  }
0x20: {  	s7 =	sadd.s32 $0x5DC00, s4;
	s17 =	sadd.s32 $0x75300, s4;
	[smem:$0x7FB] =	sst s16  }
0x21: {  	s28 =	sshrl.u32 s5, $0x3;
	s18 =	sadd.s32 $0x79180, s4;
	[smem:$0x7FC] =	sst s17  }
0x22: {  	s31 =	sshrl.u32 s7, $0x3;
	s29 =	sadd.s32 s2, s28;
	[smem:$0x7FD] =	sst s18  }
0x23: {  	[tilespmem:s3], [sflag:$0x2] =	stream.linear.gather [hbm4b:s19+s3], $0x1F400, $0x38;
	[tilespmem:$0x1F430] =	vst v63  }
0x24: {  	s10 =	sadd.s32 s2, s31;
	[dreg:$0x8] =	wrdreg s29  }
0x25: {  	s28 =	sadd.s32 $0x46500, s4;
	[dreg:$0xa] =	wrdreg s10  }
0x26: {  	s31 =	sadd.s32 $0x52080, s4;
	[dreg:$0x1a] =	wrdreg s28  }
0x27: {  	s6 =	sadd.s32 $0x3E800, s4;
	s29 =	sadd.s32 $0x4A380, s4;
	[dreg:$0x1d] =	wrdreg s31  }
0x28: {  	s9 =	sshrl.u32 s6, $0x3;
	s10 =	sadd.s32 $0x59D80, s4;
	[dreg:$0x1b] =	wrdreg s29  }
0x29: {  	s30 =	sadd.s32 s2, s9;
	[dreg:$0x1f] =	wrdreg s10  }
0x2a: {  	s9 =	sadd.s32 $0x55F00, s4;
	[dreg:$0x9] =	wrdreg s30  }
0x2b: {  	s10 =	simm.s32 $0x1F410;
	[dreg:$0x1e] =	wrdreg s9  }
0x2c: {  	s30 =	sadd.s32 $0x4E200, s4;
	[smem:$0x7F6] =	sst s10  }
0x2d: {  	s8 =	simm.s32 $0x2;
	[dreg:$0x1c] =	wrdreg s30  }
0x2e: {  	_ =	swait.ge [sflag:s8], $0x1F400  }
0x2f: {  	[sflag:s8] =	ssyncset.done $0x0  }
0x30: {  	s9 =	simm.s32 $0x1F400;
	s20 =	rddreg [dreg:$0x5];
	[sflag:s8] =	ssyncadd.s32 $0xFFFE0C00  }
0x31: {  	[tilespmem:s9], [sflag:$0x2] =	stream.linear.gather [hbm4b:s20+s3], $0x10, $0x38;
	[tilespmem:$0x1F430] =	vst v63  }
0x32: {  	_ =	swait.ge [sflag:s8], $0x10  }
0x33: {  	s12 =	sld [smem:$0x7F6]  }
0x34: {  	[sflag:s8] =	ssyncset.done $0x0  }
0x35: {  	s21 =	rddreg [dreg:$0x6];
	[sflag:s8] =	ssyncadd.s32 $0xFFFFFFF0  }
0x36: {  	[tilespmem:s12], [sflag:$0x2] =	stream.linear.gather [hbm4b:s21+s3], $0x20, $0x38;
	[tilespmem:$0x1F430] =	vst v63  }
0x37: {  	_ =	swait.ge [sflag:s8], $0x20  }
0x38: {  	[sflag:s8] =	ssyncset.done $0x0  }
0x39: {  	s22 =	rddreg [dreg:$0x7];
	[sflag:s8] =	ssyncadd.s32 $0xFFFFFFE0  }
0x3a: {  	[hbm4b:s22+s3] =	stream.linear.scatter [tilespmem:s3], [sflag:$0x1], $0x1F400, $0x38;
	[tilespmem:$0x1F430] =	vst v63  }
0x3b: {  	s23 =	rddreg [dreg:$0x8]  }
0x3c: {  	[hbm4b:s23+s3] =	stream.linear.scatter [tilespmem:s3], [sflag:$0x1], $0x1F400, $0x38;
	[tilespmem:$0x1F430] =	vst v63  }
0x3d: {  	s24 =	rddreg [dreg:$0x9]  }
0x3e: {  	[hbm4b:s24+s3] =	stream.linear.scatter [tilespmem:s3], [sflag:$0x1], $0x1F400, $0x38;
	[tilespmem:$0x1F430] =	vst v63  }
0x3f: {  	s10 =	simm.s32 $0x1;
	s25 =	rddreg [dreg:$0xa]  }
0x40: {  	[hbm4b:s25+s3] =	stream.linear.scatter [tilespmem:s3], [sflag:$0x1], $0x1F400, $0x38;
	[tilespmem:$0x1F430] =	vst v63  }
0x41: {  	_ =	swait.ge [sflag:s10], $0x1F400  }
0x42: {  	[sflag:s10] =	ssyncset.done $0x0  }
0x43: {  	[sflag:s10] =	ssyncadd.s32 $0xFFFE0C00  }
0x44: {  	_ =	swait.ge [sflag:s10], $0x1F400  }
0x45: {  	[sflag:s10] =	ssyncset.done $0x0  }
0x46: {  	[sflag:s10] =	ssyncadd.s32 $0xFFFE0C00  }
0x47: {  	_ =	swait.ge [sflag:s10], $0x1F400  }
0x48: {  	[sflag:s10] =	ssyncset.done $0x0  }
0x49: {  	[sflag:s10] =	ssyncadd.s32 $0xFFFE0C00  }
0x4a: {  	_ =	swait.ge [sflag:s10], $0x1F400  }
0x4b: {  	[sflag:s10] =	ssyncset.done $0x0  }
0x4c: {  	[sflag:s10] =	ssyncadd.s32 $0xFFFE0C00  }
0x4d: {  	v0 =	vld [tilespmem:$0x1F410];
	_ =	sdelay $0x4  }
0x4e: {  	v0 =	vshll.u32 v0, $0x4  }
0x4f: {  	(v2sf) =	vpush v0, $0x0;
	_ =	sdelay $0x1  }
0x50: {  	(v2sf) =	vpush v0, $0x1  }
0x51: {  	(v2sf) =	vpush v0, $0x2  }
0x52: {  	(v2sf) =	vpush v0, $0x3;
	_ =	sdelay $0x3  }
0x53: {  	(v2sf) =	vpush v0, $0x4;
	_ =	sdelay $0x1  }
0x54: {  	s26 =	rddreg [dreg:$0xb];
	(v2sf) =	vpush v0, $0x5  }
0x55: {  	s15 =	rddreg [dreg:$0xe]  }
0x56: {  	s28 =	rddreg [dreg:$0xc]  }
0x57: {  	s29 =	rddreg [dreg:$0xd];
	(v2sf) =	vpush v0, $0x6  }
0x58: {  	s30 =	rddreg [dreg:$0x11]  }
0x59: {  	s18 =	rddreg [dreg:$0x10];
	s13 =	spop (v2sf)  }
0x5a: {  	s19 =	rddreg [dreg:$0xf];
	s13 =	sadd.s32 s4, s13  }
0x5b: {  	s23 =	rddreg [dreg:$0x12];
	(v2sf) =	vpush v0, $0x7;
	s14 =	spop (v2sf);
	s13 =	sshrl.u32 s13, $0x3  }
0x5c: {  	(v2sf) =	vpush v0, $0x8;
	s12 =	sadd.s32 s14, s26;
	s16 =	spop (v2sf);
	s13 =	sadd.s32 s2, s13  }
0x5d: {  	s12 =	sshrl.u32 s12, $0x3;
	s14 =	sadd.s32 s16, s28;
	s31 =	spop (v2sf)  }
0x5e: {  	(v2sf) =	vpush v0, $0x9;
	[hbm4b:s13+s3] =	stream.linear.scatter [tilespmem:s9], [sflag:$0x1], $0x10, $0x38;
	[tilespmem:$0x1F430] =	vst v63  }
0x5f: {  	s12 =	sadd.s32 s2, s12;
	s14 =	sshrl.u32 s14, $0x3;
	s13 =	sadd.s32 s31, s29  }
0x60: {  	[hbm4b:s12+s3] =	stream.linear.scatter [tilespmem:s9], [sflag:$0x1], $0x10, $0x38;
	[tilespmem:$0x1F430] =	vst v63  }
0x61: {  	(v2sf) =	vpush v0, $0xA;
	s17 =	spop (v2sf);
	s14 =	sadd.s32 s2, s14;
	s13 =	sshrl.u32 s13, $0x3  }
0x62: {  	(v2sf) =	vpush v0, $0xB;
	[hbm4b:s14+s3] =	stream.linear.scatter [tilespmem:s9], [sflag:$0x1], $0x10, $0x38;
	[tilespmem:$0x1F430] =	vst v63  }
0x63: {  	s15 =	sadd.s32 s17, s15;
	s20 =	spop (v2sf);
	s13 =	sadd.s32 s2, s13  }
0x64: {  	(v2sf) =	vpush v0, $0xC;
	[hbm4b:s13+s3] =	stream.linear.scatter [tilespmem:s9], [sflag:$0x1], $0x10, $0x38;
	[tilespmem:$0x1F430] =	vst v63  }
0x65: {  	s16 =	rddreg [dreg:$0x15];
	s15 =	sshrl.u32 s15, $0x3;
	s13 =	sadd.s32 s20, s19  }
0x66: {  	s21 =	spop (v2sf);
	s15 =	sadd.s32 s2, s15;
	s13 =	sshrl.u32 s13, $0x3  }
0x67: {  	[hbm4b:s15+s3] =	stream.linear.scatter [tilespmem:s9], [sflag:$0x1], $0x10, $0x38;
	[tilespmem:$0x1F430] =	vst v63  }
0x68: {  	s29 =	rddreg [dreg:$0x13];
	s14 =	sadd.s32 s21, s18;
	s13 =	sadd.s32 s2, s13  }
0x69: {  	[hbm4b:s13+s3] =	stream.linear.scatter [tilespmem:s9], [sflag:$0x1], $0x10, $0x38;
	[tilespmem:$0x1F430] =	vst v63  }
0x6a: {  	s31 =	rddreg [dreg:$0x14];
	s14 =	sshrl.u32 s14, $0x3;
	s22 =	spop (v2sf)  }
0x6b: {  	s24 =	sadd.s32 s2, s14;
	s12 =	sadd.s32 s22, s30;
	s25 =	spop (v2sf)  }
0x6c: {  	(v2sf) =	vpush v0, $0xD;
	[hbm4b:s24+s3] =	stream.linear.scatter [tilespmem:s9], [sflag:$0x1], $0x10, $0x38;
	[tilespmem:$0x1F430] =	vst v63  }
0x6d: {  	(v2sf) =	vpush v0, $0xE;
	s12 =	sshrl.u32 s12, $0x3;
	s26 =	sadd.s32 s5, s25;
	s28 =	spop (v2sf)  }
0x6e: {  	(v2sf) =	vpush v0, $0xF;
	s12 =	sadd.s32 s2, s12;
	s13 =	sshrl.u32 s26, $0x3;
	s14 =	sadd.s32 s28, s23  }
0x6f: {  	[hbm4b:s12+s3] =	stream.linear.scatter [tilespmem:s9], [sflag:$0x1], $0x10, $0x38;
	[tilespmem:$0x1F430] =	vst v63  }
0x70: {  	s30 =	spop (v2sf);
	s13 =	sadd.s32 s2, s13;
	s14 =	sshrl.u32 s14, $0x3  }
0x71: {  	s12 =	sadd.s32 s30, s29;
	s17 =	spop (v2sf);
	s14 =	sadd.s32 s2, s14  }
0x72: {  	[hbm4b:s13+s3] =	stream.linear.scatter [tilespmem:s9], [sflag:$0x1], $0x10, $0x38;
	[tilespmem:$0x1F430] =	vst v63  }
0x73: {  	s12 =	sshrl.u32 s12, $0x3;
	s18 =	spop (v2sf);
	s13 =	sadd.s32 s17, s31  }
0x74: {  	[hbm4b:s14+s3] =	stream.linear.scatter [tilespmem:s9], [sflag:$0x1], $0x10, $0x38;
	[tilespmem:$0x1F430] =	vst v63  }
0x75: {  	s12 =	sadd.s32 s2, s12;
	s13 =	sshrl.u32 s13, $0x3;
	s14 =	sadd.s32 s18, s16  }
0x76: {  	[hbm4b:s12+s3] =	stream.linear.scatter [tilespmem:s9], [sflag:$0x1], $0x10, $0x38;
	[tilespmem:$0x1F430] =	vst v63  }
0x77: {  	s13 =	sadd.s32 s2, s13;
	s14 =	sshrl.u32 s14, $0x3  }
0x78: {  	[hbm4b:s13+s3] =	stream.linear.scatter [tilespmem:s9], [sflag:$0x1], $0x10, $0x38;
	[tilespmem:$0x1F430] =	vst v63  }
0x79: {  	s21 =	rddreg [dreg:$0x17];
	s14 =	sadd.s32 s2, s14  }
0x7a: {  	[hbm4b:s14+s3] =	stream.linear.scatter [tilespmem:s9], [sflag:$0x1], $0x10, $0x38;
	[tilespmem:$0x1F430] =	vst v63  }
0x7b: {  	s19 =	rddreg [dreg:$0x16];
	s20 =	spop (v2sf)  }
0x7c: {  	s22 =	rddreg [dreg:$0x18];
	s12 =	sadd.s32 s20, s19;
	s23 =	spop (v2sf)  }
0x7d: {  	s12 =	sshrl.u32 s12, $0x3;
	s13 =	sadd.s32 s23, s21;
	s24 =	spop (v2sf)  }
0x7e: {  	s12 =	sadd.s32 s2, s12;
	s25 =	sshrl.u32 s13, $0x3;
	s26 =	sadd.s32 s24, s22  }
0x7f: {  	[hbm4b:s12+s3] =	stream.linear.scatter [tilespmem:s9], [sflag:$0x1], $0x10, $0x38;
	[tilespmem:$0x1F430] =	vst v63  }
0x80: {  	s12 =	sadd.s32 s2, s25;
	s13 =	sshrl.u32 s26, $0x3  }
0x81: {  	[hbm4b:s12+s3] =	stream.linear.scatter [tilespmem:s9], [sflag:$0x1], $0x10, $0x38;
	[tilespmem:$0x1F430] =	vst v63  }
0x82: {  	s28 =	sadd.s32 s2, s13  }
0x83: {  	[hbm4b:s28+s3] =	stream.linear.scatter [tilespmem:s9], [sflag:$0x1], $0x10, $0x38;
	[tilespmem:$0x1F430] =	vst v63  }
0x84: {  	v63 =	vld [tilespmem:$0x1F420];
	_ =	sdelay $0x4  }
0x85: {  	v0 =	vshll.u32 v63, $0x4  }
0x86: {  	(v2sf) =	vpush v0, $0x0  }
0x87: {  	(v2sf) =	vpush v0, $0x1  }
0x88: {  	(v2sf) =	vpush v0, $0x2;
	_ =	sdelay $0x1  }
0x89: {  	(v2sf) =	vpush v0, $0x3;
	_ =	sdelay $0x3  }
0x8a: {  	(v2sf) =	vpush v0, $0x4;
	_ =	sdelay $0x1  }
0x8b: {  	s15 =	rddreg [dreg:$0x1a];
	(v2sf) =	vpush v0, $0x5  }
0x8c: {  	s29 =	rddreg [dreg:$0x19]  }
0x8d: {  	s17 =	rddreg [dreg:$0x1c];
	(v2sf) =	vpush v0, $0x6  }
0x8e: {  	s16 =	rddreg [dreg:$0x1b]  }
0x8f: {  	s21 =	rddreg [dreg:$0x1e]  }
0x90: {  	s23 =	rddreg [dreg:$0x1f];
	s30 =	spop (v2sf)  }
0x91: {  	s22 =	rddreg [dreg:$0x1d];
	s13 =	sadd.s32 s6, s30;
	s31 =	spop (v2sf)  }
0x92: {  	(v2sf) =	vpush v0, $0x7;
	s13 =	sshrl.u32 s13, $0x3;
	s12 =	sadd.s32 s31, s29;
	s18 =	spop (v2sf)  }
0x93: {  	(v2sf) =	vpush v0, $0x8;
	s29 =	sld [smem:$0x7F7];
	s13 =	sadd.s32 s2, s13;
	s12 =	sshrl.u32 s12, $0x3  }
0x94: {  	s14 =	sadd.s32 s18, s15;
	s19 =	spop (v2sf);
	s15 =	sld [smem:$0x7F8]  }
0x95: {  	(v2sf) =	vpush v0, $0x9;
	[hbm4b:s13+s3] =	stream.linear.scatter [tilespmem:s9], [sflag:$0x1], $0x10, $0x38;
	[tilespmem:$0x1F430] =	vst v63  }
0x96: {  	s12 =	sadd.s32 s2, s12;
	s14 =	sshrl.u32 s14, $0x3;
	s13 =	sadd.s32 s19, s16  }
0x97: {  	[hbm4b:s12+s3] =	stream.linear.scatter [tilespmem:s9], [sflag:$0x1], $0x10, $0x38;
	[tilespmem:$0x1F430] =	vst v63  }
0x98: {  	(v2sf) =	vpush v0, $0xA;
	s20 =	spop (v2sf);
	s14 =	sadd.s32 s2, s14;
	s13 =	sshrl.u32 s13, $0x3  }
0x99: {  	[hbm4b:s14+s3] =	stream.linear.scatter [tilespmem:s9], [sflag:$0x1], $0x10, $0x38;
	[tilespmem:$0x1F430] =	vst v63  }
0x9a: {  	(v2sf) =	vpush v0, $0xB;
	s24 =	spop (v2sf);
	s12 =	sadd.s32 s20, s17;
	s13 =	sadd.s32 s2, s13  }
0x9b: {  	[hbm4b:s13+s3] =	stream.linear.scatter [tilespmem:s9], [sflag:$0x1], $0x10, $0x38;
	[tilespmem:$0x1F430] =	vst v63  }
0x9c: {  	(v2sf) =	vpush v0, $0xC;
	s25 =	spop (v2sf);
	s12 =	sshrl.u32 s12, $0x3;
	s13 =	sadd.s32 s24, s22  }
0x9d: {  	s12 =	sadd.s32 s2, s12;
	s14 =	sadd.s32 s25, s21;
	s13 =	sshrl.u32 s13, $0x3  }
0x9e: {  	[hbm4b:s12+s3] =	stream.linear.scatter [tilespmem:s9], [sflag:$0x1], $0x10, $0x38;
	[tilespmem:$0x1F430] =	vst v63  }
0x9f: {  	s19 =	sld [smem:$0x7FA];
	(v2sf) =	vpush v0, $0xD;
	s14 =	sshrl.u32 s14, $0x3;
	s13 =	sadd.s32 s2, s13  }
0xa0: {  	[hbm4b:s13+s3] =	stream.linear.scatter [tilespmem:s9], [sflag:$0x1], $0x10, $0x38;
	[tilespmem:$0x1F430] =	vst v63  }
0xa1: {  	s17 =	sld [smem:$0x7F9];
	s14 =	sadd.s32 s2, s14;
	s26 =	spop (v2sf)  }
0xa2: {  	s22 =	sld [smem:$0x7FB];
	s12 =	sadd.s32 s26, s23;
	s28 =	spop (v2sf)  }
0xa3: {  	(v2sf) =	vpush v0, $0xE;
	[hbm4b:s14+s3] =	stream.linear.scatter [tilespmem:s9], [sflag:$0x1], $0x10, $0x38;
	[tilespmem:$0x1F430] =	vst v63  }
0xa4: {  	s12 =	sshrl.u32 s12, $0x3;
	s13 =	sadd.s32 s7, s28;
	s31 =	spop (v2sf)  }
0xa5: {  	s12 =	sadd.s32 s2, s12;
	s30 =	sshrl.u32 s13, $0x3;
	s13 =	sadd.s32 s31, s29  }
0xa6: {  	(v2sf) =	vpush v0, $0xF;
	[hbm4b:s12+s3] =	stream.linear.scatter [tilespmem:s9], [sflag:$0x1], $0x10, $0x38;
	[tilespmem:$0x1F430] =	vst v63  }
0xa7: {  	s16 =	spop (v2sf);
	s12 =	sadd.s32 s2, s30;
	s13 =	sshrl.u32 s13, $0x3  }
0xa8: {  	[hbm4b:s12+s3] =	stream.linear.scatter [tilespmem:s9], [sflag:$0x1], $0x10, $0x38;
	[tilespmem:$0x1F430] =	vst v63  }
0xa9: {  	s18 =	spop (v2sf);
	s13 =	sadd.s32 s2, s13;
	s12 =	sadd.s32 s16, s15  }
0xaa: {  	[hbm4b:s13+s3] =	stream.linear.scatter [tilespmem:s9], [sflag:$0x1], $0x10, $0x38;
	[tilespmem:$0x1F430] =	vst v63  }
0xab: {  	s21 =	spop (v2sf);
	s12 =	sshrl.u32 s12, $0x3;
	s13 =	sadd.s32 s18, s17  }
0xac: {  	s12 =	sadd.s32 s2, s12;
	s20 =	sshrl.u32 s13, $0x3;
	s13 =	sadd.s32 s21, s19  }
0xad: {  	[hbm4b:s12+s3] =	stream.linear.scatter [tilespmem:s9], [sflag:$0x1], $0x10, $0x38;
	[tilespmem:$0x1F430] =	vst v63  }
0xae: {  	s23 =	spop (v2sf);
	s12 =	sadd.s32 s2, s20;
	s13 =	sshrl.u32 s13, $0x3  }
0xaf: {  	[hbm4b:s12+s3] =	stream.linear.scatter [tilespmem:s9], [sflag:$0x1], $0x10, $0x38;
	[tilespmem:$0x1F430] =	vst v63  }
0xb0: {  	s24 =	sld [smem:$0x7FC];
	s13 =	sadd.s32 s2, s13;
	s12 =	sadd.s32 s23, s22  }
0xb1: {  	[hbm4b:s13+s3] =	stream.linear.scatter [tilespmem:s9], [sflag:$0x1], $0x10, $0x38;
	[tilespmem:$0x1F430] =	vst v63  }
0xb2: {  	s12 =	sshrl.u32 s12, $0x3;
	s25 =	spop (v2sf)  }
0xb3: {  	s26 =	sld [smem:$0x7FD];
	s12 =	sadd.s32 s2, s12;
	s13 =	sadd.s32 s25, s24  }
0xb4: {  	[hbm4b:s12+s3] =	stream.linear.scatter [tilespmem:s9], [sflag:$0x1], $0x10, $0x38;
	[tilespmem:$0x1F430] =	vst v63  }
0xb5: {  	s28 =	sshrl.u32 s13, $0x3;
	s29 =	spop (v2sf)  }
0xb6: {  	s13 =	sadd.s32 s29, s26;
	s12 =	sadd.s32 s2, s28  }
0xb7: {  	[hbm4b:s12+s3] =	stream.linear.scatter [tilespmem:s9], [sflag:$0x1], $0x10, $0x38;
	[tilespmem:$0x1F430] =	vst v63  }
0xb8: {  	s30 =	sshrl.u32 s13, $0x3  }
0xb9: {  	s12 =	sadd.s32 s2, s30  }
0xba: {  	[hbm4b:s12+s3] =	stream.linear.scatter [tilespmem:s9], [sflag:$0x1], $0x10, $0x38;
	[tilespmem:$0x1F430] =	vst v63  }
0xbb: {  	_ =	swait.ge [sflag:s10], $0x10  }
0xbc: {  	[sflag:s10] =	ssyncset.done $0x0  }
0xbd: {  	[sflag:s10] =	ssyncadd.s32 $0xFFFFFFF0  }
0xbe: {  	_ =	swait.ge [sflag:s10], $0x10  }
0xbf: {  	[sflag:s10] =	ssyncset.done $0x0  }
0xc0: {  	[sflag:s10] =	ssyncadd.s32 $0xFFFFFFF0  }
0xc1: {  	_ =	swait.ge [sflag:s10], $0x10  }
0xc2: {  	[sflag:s10] =	ssyncset.done $0x0  }
0xc3: {  	[sflag:s10] =	ssyncadd.s32 $0xFFFFFFF0  }
0xc4: {  	_ =	swait.ge [sflag:s10], $0x10  }
0xc5: {  	[sflag:s10] =	ssyncset.done $0x0  }
0xc6: {  	[sflag:s10] =	ssyncadd.s32 $0xFFFFFFF0  }
0xc7: {  	_ =	swait.ge [sflag:s10], $0x10  }
0xc8: {  	[sflag:s10] =	ssyncset.done $0x0  }
0xc9: {  	[sflag:s10] =	ssyncadd.s32 $0xFFFFFFF0  }
0xca: {  	_ =	swait.ge [sflag:s10], $0x10  }
0xcb: {  	[sflag:s10] =	ssyncset.done $0x0  }
0xcc: {  	[sflag:s10] =	ssyncadd.s32 $0xFFFFFFF0  }
0xcd: {  	_ =	swait.ge [sflag:s10], $0x10  }
0xce: {  	[sflag:s10] =	ssyncset.done $0x0  }
0xcf: {  	[sflag:s10] =	ssyncadd.s32 $0xFFFFFFF0  }
0xd0: {  	_ =	swait.ge [sflag:s10], $0x10  }
0xd1: {  	[sflag:s10] =	ssyncset.done $0x0  }
0xd2: {  	[sflag:s10] =	ssyncadd.s32 $0xFFFFFFF0  }
0xd3: {  	_ =	swait.ge [sflag:s10], $0x10  }
0xd4: {  	[sflag:s10] =	ssyncset.done $0x0  }
0xd5: {  	[sflag:s10] =	ssyncadd.s32 $0xFFFFFFF0  }
0xd6: {  	_ =	swait.ge [sflag:s10], $0x10  }
0xd7: {  	[sflag:s10] =	ssyncset.done $0x0  }
0xd8: {  	[sflag:s10] =	ssyncadd.s32 $0xFFFFFFF0  }
0xd9: {  	_ =	swait.ge [sflag:s10], $0x10  }
0xda: {  	[sflag:s10] =	ssyncset.done $0x0  }
0xdb: {  	[sflag:s10] =	ssyncadd.s32 $0xFFFFFFF0  }
0xdc: {  	_ =	swait.ge [sflag:s10], $0x10  }
0xdd: {  	[sflag:s10] =	ssyncset.done $0x0  }
0xde: {  	[sflag:s10] =	ssyncadd.s32 $0xFFFFFFF0  }
0xdf: {  	_ =	swait.ge [sflag:s10], $0x10  }
0xe0: {  	[sflag:s10] =	ssyncset.done $0x0  }
0xe1: {  	[sflag:s10] =	ssyncadd.s32 $0xFFFFFFF0  }
0xe2: {  	_ =	swait.ge [sflag:s10], $0x10  }
0xe3: {  	[sflag:s10] =	ssyncset.done $0x0  }
0xe4: {  	[sflag:s10] =	ssyncadd.s32 $0xFFFFFFF0  }
0xe5: {  	_ =	swait.ge [sflag:s10], $0x10  }
0xe6: {  	[sflag:s10] =	ssyncset.done $0x0  }
0xe7: {  	[sflag:s10] =	ssyncadd.s32 $0xFFFFFFF0  }
0xe8: {  	_ =	swait.ge [sflag:s10], $0x10  }
0xe9: {  	[sflag:s10] =	ssyncset.done $0x0  }
0xea: {  	[sflag:s10] =	ssyncadd.s32 $0xFFFFFFF0  }
0xeb: {  	_ =	swait.ge [sflag:s10], $0x10  }
0xec: {  	[sflag:s10] =	ssyncset.done $0x0  }
0xed: {  	[sflag:s10] =	ssyncadd.s32 $0xFFFFFFF0  }
0xee: {  	_ =	swait.ge [sflag:s10], $0x10  }
0xef: {  	[sflag:s10] =	ssyncset.done $0x0  }
0xf0: {  	[sflag:s10] =	ssyncadd.s32 $0xFFFFFFF0  }
0xf1: {  	_ =	swait.ge [sflag:s10], $0x10  }
0xf2: {  	[sflag:s10] =	ssyncset.done $0x0  }
0xf3: {  	[sflag:s10] =	ssyncadd.s32 $0xFFFFFFF0  }
0xf4: {  	_ =	swait.ge [sflag:s10], $0x10  }
0xf5: {  	[sflag:s10] =	ssyncset.done $0x0  }
0xf6: {  	[sflag:s10] =	ssyncadd.s32 $0xFFFFFFF0  }
0xf7: {  	_ =	swait.ge [sflag:s10], $0x10  }
0xf8: {  	[sflag:s10] =	ssyncset.done $0x0  }
0xf9: {  	[sflag:s10] =	ssyncadd.s32 $0xFFFFFFF0  }
0xfa: {  	_ =	swait.ge [sflag:s10], $0x10  }
0xfb: {  	[sflag:s10] =	ssyncset.done $0x0  }
0xfc: {  	[sflag:s10] =	ssyncadd.s32 $0xFFFFFFF0  }
0xfd: {  	_ =	swait.ge [sflag:s10], $0x10  }
0xfe: {  	[sflag:s10] =	ssyncset.done $0x0  }
0xff: {  	[sflag:s10] =	ssyncadd.s32 $0xFFFFFFF0  }
0x100: {  	_ =	swait.ge [sflag:s10], $0x10  }
0x101: {  	[sflag:s10] =	ssyncset.done $0x0  }
0x102: {  	[sflag:s10] =	ssyncadd.s32 $0xFFFFFFF0  }
0x103: {  	_ =	swait.ge [sflag:s10], $0x10  }
0x104: {  	[sflag:s10] =	ssyncset.done $0x0  }
0x105: {  	s11 =	ssub.s32 $0x2, s11;
	[sflag:s10] =	ssyncadd.s32 $0xFFFFFFF0  }
0x106: {  	s31 =	sshrl.u32 s11, $0x1;
	_ =	swait.ge [sflag:s10], $0x10  }
0x107: {  	s11 =	ssub.s32 s11, s31;
	[sflag:s10] =	ssyncset.done $0x0  }
0x108: {  	s11 =	smax.u32 s11, $0x1;
	[sflag:s10] =	ssyncadd.s32 $0xFFFFFFF0  }
0x109: {  	p0 =	sne.s32 s11, $0x1;
	_ =	swait.ge [sflag:s10], $0x10  }
.Ltmp0:
0x10a: {  	[sflag:s10] =	ssyncset.done $0x0;
	(pc) =	sbr.rel @!p0 .LBB2_2-.Ltmp0, $4  }
0x10b: {  	[sflag:s10] =	ssyncadd.s32 $0xFFFFFFF0  }
0x10c: {  	_ =	swait.ge [sflag:s10], $0x10  }
0x10d: {  	[sflag:s10] =	ssyncset.done $0x0  }
0x10e: {  	s11 =	sadd.s32 $0xFFFFFFFF, s11;
	[sflag:s10] =	ssyncadd.s32 $0xFFFFFFF0  }
.LBB2_1:
0x10f: {  	_ =	swait.ge [sflag:s10], $0x10  }
0x110: {  	[sflag:s10] =	ssyncset.done $0x0  }
0x111: {  	[sflag:s10] =	ssyncadd.s32 $0xFFFFFFF0  }
0x112: {  	_ =	swait.ge [sflag:s10], $0x10  }
0x113: {  	[sflag:s10] =	ssyncset.done $0x0  }
0x114: {  	[sflag:s10] =	ssyncadd.s32 $0xFFFFFFF0  }
0x115: {  	_ =	swait.ge [sflag:s10], $0x10  }
0x116: {  	[sflag:s10] =	ssyncset.done $0x0  }
0x117: {  	[sflag:s10] =	ssyncadd.s32 $0xFFFFFFF0  }
0x118: {  	_ =	swait.ge [sflag:s10], $0x10  }
0x119: {  	[sflag:s10] =	ssyncset.done $0x0  }
0x11a: {  	s12 =	rddreg [dreg:$0x4];
	[sflag:s10] =	ssyncadd.s32 $0xFFFFFFF0  }
0x11b: {  	[tilespmem:s3], [sflag:$0x2] =	stream.linear.gather [hbm4b:s12+s3], $0x1F400, $0x38;
	[tilespmem:$0x1F430] =	vst v63  }
0x11c: {  	_ =	swait.ge [sflag:s8], $0x1F400  }
0x11d: {  	[sflag:s8] =	ssyncset.done $0x0  }
0x11e: {  	s23 =	rddreg [dreg:$0x5];
	[sflag:s8] =	ssyncadd.s32 $0xFFFE0C00  }
0x11f: {  	[tilespmem:s9], [sflag:$0x2] =	stream.linear.gather [hbm4b:s23+s3], $0x10, $0x38;
	[tilespmem:$0x1F430] =	vst v63  }
0x120: {  	_ =	swait.ge [sflag:s8], $0x10  }
0x121: {  	s13 =	sld [smem:$0x7F6]  }
0x122: {  	[sflag:s8] =	ssyncset.done $0x0  }
0x123: {  	s24 =	rddreg [dreg:$0x6];
	[sflag:s8] =	ssyncadd.s32 $0xFFFFFFF0  }
0x124: {  	[tilespmem:s13], [sflag:$0x2] =	stream.linear.gather [hbm4b:s24+s3], $0x20, $0x38;
	[tilespmem:$0x1F430] =	vst v63  }
0x125: {  	_ =	swait.ge [sflag:s8], $0x20  }
0x126: {  	[sflag:s8] =	ssyncset.done $0x0  }
0x127: {  	s25 =	rddreg [dreg:$0x7];
	[sflag:s8] =	ssyncadd.s32 $0xFFFFFFE0  }
0x128: {  	[hbm4b:s25+s3] =	stream.linear.scatter [tilespmem:s3], [sflag:$0x1], $0x1F400, $0x38;
	[tilespmem:$0x1F430] =	vst v63  }
0x129: {  	s26 =	rddreg [dreg:$0x8]  }
0x12a: {  	[hbm4b:s26+s3] =	stream.linear.scatter [tilespmem:s3], [sflag:$0x1], $0x1F400, $0x38;
	[tilespmem:$0x1F430] =	vst v63  }
0x12b: {  	s14 =	rddreg [dreg:$0x9]  }
0x12c: {  	[hbm4b:s14+s3] =	stream.linear.scatter [tilespmem:s3], [sflag:$0x1], $0x1F400, $0x38;
	[tilespmem:$0x1F430] =	vst v63  }
0x12d: {  	s28 =	rddreg [dreg:$0xa]  }
0x12e: {  	[hbm4b:s28+s3] =	stream.linear.scatter [tilespmem:s3], [sflag:$0x1], $0x1F400, $0x38;
	[tilespmem:$0x1F430] =	vst v63  }
0x12f: {  	_ =	swait.ge [sflag:s10], $0x1F400  }
0x130: {  	[sflag:s10] =	ssyncset.done $0x0  }
0x131: {  	[sflag:s10] =	ssyncadd.s32 $0xFFFE0C00  }
0x132: {  	_ =	swait.ge [sflag:s10], $0x1F400  }
0x133: {  	[sflag:s10] =	ssyncset.done $0x0  }
0x134: {  	[sflag:s10] =	ssyncadd.s32 $0xFFFE0C00  }
0x135: {  	_ =	swait.ge [sflag:s10], $0x1F400  }
0x136: {  	[sflag:s10] =	ssyncset.done $0x0  }
0x137: {  	[sflag:s10] =	ssyncadd.s32 $0xFFFE0C00  }
0x138: {  	_ =	swait.ge [sflag:s10], $0x1F400  }
0x139: {  	[sflag:s10] =	ssyncset.done $0x0  }
0x13a: {  	[sflag:s10] =	ssyncadd.s32 $0xFFFE0C00  }
0x13b: {  	v0 =	vld [tilespmem:$0x1F410];
	_ =	sdelay $0x4  }
0x13c: {  	v0 =	vshll.u32 v0, $0x4  }
0x13d: {  	(v2sf) =	vpush v0, $0x0  }
0x13e: {  	(v2sf) =	vpush v0, $0x1;
	_ =	sdelay $0x1  }
0x13f: {  	(v2sf) =	vpush v0, $0x2;
	_ =	sdelay $0x1  }
0x140: {  	(v2sf) =	vpush v0, $0x3  }
0x141: {  	(v2sf) =	vpush v0, $0x4;
	_ =	sdelay $0x1  }
0x142: {  	s13 =	rddreg [dreg:$0x17]  }
0x143: {  	s14 =	rddreg [dreg:$0x16];
	(v2sf) =	vpush v0, $0x5  }
0x144: {  	s15 =	rddreg [dreg:$0x15]  }
0x145: {  	s16 =	rddreg [dreg:$0x14];
	(v2sf) =	vpush v0, $0x6  }
0x146: {  	s19 =	rddreg [dreg:$0x10]  }
0x147: {  	s20 =	rddreg [dreg:$0xf];
	(v2sf) =	vpush v0, $0x7  }
0x148: {  	s21 =	rddreg [dreg:$0xe]  }
0x149: {  	s22 =	rddreg [dreg:$0xb];
	s24 =	spop (v2sf)  }
0x14a: {  	s23 =	rddreg [dreg:$0xc];
	s24 =	sadd.s32 s4, s24;
	s26 =	spop (v2sf)  }
0x14b: {  	s25 =	rddreg [dreg:$0xd];
	s24 =	sshrl.u32 s24, $0x3;
	s22 =	sadd.s32 s26, s22  }
0x14c: {  	s29 =	spop (v2sf);
	s24 =	sadd.s32 s2, s24;
	s22 =	sshrl.u32 s22, $0x3  }
0x14d: {  	(v2sf) =	vpush v0, $0x8;
	[hbm4b:s24+s3] =	stream.linear.scatter [tilespmem:s9], [sflag:$0x1], $0x10, $0x38;
	[tilespmem:$0x1F430] =	vst v63  }
0x14e: {  	s23 =	sadd.s32 s29, s23;
	(v2sf) =	vpush v0, $0x9;
	s30 =	spop (v2sf);
	s22 =	sadd.s32 s2, s22  }
0x14f: {  	s23 =	sshrl.u32 s23, $0x3;
	s24 =	sadd.s32 s30, s25;
	s31 =	spop (v2sf)  }
0x150: {  	(v2sf) =	vpush v0, $0xA;
	s23 =	sadd.s32 s2, s23;
	s26 =	sshrl.u32 s24, $0x3;
	s21 =	sadd.s32 s31, s21  }
0x151: {  	[hbm4b:s22+s3] =	stream.linear.scatter [tilespmem:s9], [sflag:$0x1], $0x10, $0x38;
	[tilespmem:$0x1F430] =	vst v63  }
0x152: {  	s28 =	spop (v2sf);
	s22 =	sadd.s32 s2, s26;
	s21 =	sshrl.u32 s21, $0x3  }
0x153: {  	(v2sf) =	vpush v0, $0xB;
	[hbm4b:s23+s3] =	stream.linear.scatter [tilespmem:s9], [sflag:$0x1], $0x10, $0x38;
	[tilespmem:$0x1F430] =	vst v63  }
0x154: {  	s20 =	sadd.s32 s28, s20;
	(v2sf) =	vpush v0, $0xC;
	s29 =	spop (v2sf);
	s21 =	sadd.s32 s2, s21  }
0x155: {  	[hbm4b:s22+s3] =	stream.linear.scatter [tilespmem:s9], [sflag:$0x1], $0x10, $0x38;
	[tilespmem:$0x1F430] =	vst v63  }
0x156: {  	s20 =	sshrl.u32 s20, $0x3;
	s19 =	sadd.s32 s29, s19;
	s31 =	spop (v2sf);
	(v2sf) =	vpush v0, $0xD  }
0x157: {  	[hbm4b:s21+s3] =	stream.linear.scatter [tilespmem:s9], [sflag:$0x1], $0x10, $0x38;
	[tilespmem:$0x1F430] =	vst v63  }
0x158: {  	s18 =	rddreg [dreg:$0x11];
	s20 =	sadd.s32 s2, s20;
	s19 =	sshrl.u32 s19, $0x3  }
0x159: {  	[hbm4b:s20+s3] =	stream.linear.scatter [tilespmem:s9], [sflag:$0x1], $0x10, $0x38;
	[tilespmem:$0x1F430] =	vst v63  }
0x15a: {  	s17 =	rddreg [dreg:$0x13];
	s18 =	sadd.s32 s31, s18;
	(v2sf) =	vpush v0, $0xE;
	s19 =	sadd.s32 s2, s19  }
0x15b: {  	[hbm4b:s19+s3] =	stream.linear.scatter [tilespmem:s9], [sflag:$0x1], $0x10, $0x38;
	[tilespmem:$0x1F430] =	vst v63  }
0x15c: {  	s30 =	rddreg [dreg:$0x12];
	s18 =	sshrl.u32 s18, $0x3;
	s23 =	spop (v2sf)  }
0x15d: {  	s18 =	sadd.s32 s2, s18;
	s24 =	sadd.s32 s5, s23;
	s25 =	spop (v2sf)  }
0x15e: {  	(v2sf) =	vpush v0, $0xF;
	[hbm4b:s18+s3] =	stream.linear.scatter [tilespmem:s9], [sflag:$0x1], $0x10, $0x38;
	[tilespmem:$0x1F430] =	vst v63  }
0x15f: {  	s26 =	sshrl.u32 s24, $0x3;
	s28 =	sadd.s32 s25, s30;
	s29 =	spop (v2sf)  }
0x160: {  	s18 =	sadd.s32 s2, s26;
	s19 =	sshrl.u32 s28, $0x3;
	s17 =	sadd.s32 s29, s17  }
0x161: {  	[hbm4b:s18+s3] =	stream.linear.scatter [tilespmem:s9], [sflag:$0x1], $0x10, $0x38;
	[tilespmem:$0x1F430] =	vst v63  }
0x162: {  	s31 =	spop (v2sf);
	s30 =	sadd.s32 s2, s19;
	s17 =	sshrl.u32 s17, $0x3  }
0x163: {  	s16 =	sadd.s32 s31, s16;
	s20 =	spop (v2sf);
	s17 =	sadd.s32 s2, s17  }
0x164: {  	[hbm4b:s30+s3] =	stream.linear.scatter [tilespmem:s9], [sflag:$0x1], $0x10, $0x38;
	[tilespmem:$0x1F430] =	vst v63  }
0x165: {  	s16 =	sshrl.u32 s16, $0x3;
	s15 =	sadd.s32 s20, s15;
	s21 =	spop (v2sf)  }
0x166: {  	[hbm4b:s17+s3] =	stream.linear.scatter [tilespmem:s9], [sflag:$0x1], $0x10, $0x38;
	[tilespmem:$0x1F430] =	vst v63  }
0x167: {  	s16 =	sadd.s32 s2, s16;
	s15 =	sshrl.u32 s15, $0x3;
	s14 =	sadd.s32 s21, s14  }
0x168: {  	[hbm4b:s16+s3] =	stream.linear.scatter [tilespmem:s9], [sflag:$0x1], $0x10, $0x38;
	[tilespmem:$0x1F430] =	vst v63  }
0x169: {  	s22 =	spop (v2sf);
	s15 =	sadd.s32 s2, s15;
	s14 =	sshrl.u32 s14, $0x3  }
0x16a: {  	[hbm4b:s15+s3] =	stream.linear.scatter [tilespmem:s9], [sflag:$0x1], $0x10, $0x38;
	[tilespmem:$0x1F430] =	vst v63  }
0x16b: {  	s13 =	sadd.s32 s22, s13;
	s14 =	sadd.s32 s2, s14  }
0x16c: {  	[hbm4b:s14+s3] =	stream.linear.scatter [tilespmem:s9], [sflag:$0x1], $0x10, $0x38;
	[tilespmem:$0x1F430] =	vst v63  }
0x16d: {  	s12 =	rddreg [dreg:$0x18];
	s13 =	sshrl.u32 s13, $0x3;
	s23 =	spop (v2sf)  }
0x16e: {  	s13 =	sadd.s32 s2, s13;
	s12 =	sadd.s32 s23, s12  }
0x16f: {  	[hbm4b:s13+s3] =	stream.linear.scatter [tilespmem:s9], [sflag:$0x1], $0x10, $0x38;
	[tilespmem:$0x1F430] =	vst v63  }
0x170: {  	s12 =	sshrl.u32 s12, $0x3  }
0x171: {  	s12 =	sadd.s32 s2, s12  }
0x172: {  	[hbm4b:s12+s3] =	stream.linear.scatter [tilespmem:s9], [sflag:$0x1], $0x10, $0x38;
	[tilespmem:$0x1F430] =	vst v63  }
0x173: {  	v63 =	vld [tilespmem:$0x1F420];
	_ =	sdelay $0x4  }
0x174: {  	v0 =	vshll.u32 v63, $0x4  }
0x175: {  	(v2sf) =	vpush v0, $0x0  }
0x176: {  	(v2sf) =	vpush v0, $0x1;
	_ =	sdelay $0x1  }
0x177: {  	(v2sf) =	vpush v0, $0x2  }
0x178: {  	s24 =	rddreg [dreg:$0x19]  }
0x179: {  	s26 =	rddreg [dreg:$0x1a];
	(v2sf) =	vpush v0, $0x3  }
0x17a: {  	s29 =	rddreg [dreg:$0x1b];
	(v2sf) =	vpush v0, $0x4  }
0x17b: {  	s18 =	sld [smem:$0x7F7];
	(v2sf) =	vpush v0, $0x5  }
0x17c: {  	s19 =	rddreg [dreg:$0x1f]  }
0x17d: {  	s20 =	rddreg [dreg:$0x1e];
	(v2sf) =	vpush v0, $0x6  }
0x17e: {  	s21 =	rddreg [dreg:$0x1d]  }
0x17f: {  	s22 =	rddreg [dreg:$0x1c]  }
0x180: {  	s17 =	sld [smem:$0x7F8]  }
0x181: {  	s16 =	sld [smem:$0x7F9];
	(v2sf) =	vpush v0, $0x7  }
0x182: {  	s15 =	sld [smem:$0x7FA]  }
0x183: {  	s14 =	sld [smem:$0x7FB];
	s28 =	spop (v2sf)  }
0x184: {  	s13 =	sld [smem:$0x7FC];
	s25 =	sadd.s32 s6, s28;
	s28 =	spop (v2sf)  }
0x185: {  	s12 =	sld [smem:$0x7FD];
	(v2sf) =	vpush v0, $0x8;
	s25 =	sshrl.u32 s25, $0x3;
	s23 =	sadd.s32 s28, s24  }
0x186: {  	s30 =	spop (v2sf);
	s25 =	sadd.s32 s2, s25;
	s23 =	sshrl.u32 s23, $0x3  }
0x187: {  	(v2sf) =	vpush v0, $0x9;
	[hbm4b:s25+s3] =	stream.linear.scatter [tilespmem:s9], [sflag:$0x1], $0x10, $0x38;
	[tilespmem:$0x1F430] =	vst v63  }
0x188: {  	s24 =	sadd.s32 s30, s26;
	s31 =	spop (v2sf);
	s23 =	sadd.s32 s2, s23  }
0x189: {  	(v2sf) =	vpush v0, $0xA;
	s24 =	sshrl.u32 s24, $0x3;
	s29 =	sadd.s32 s31, s29;
	s30 =	spop (v2sf)  }
0x18a: {  	s28 =	sadd.s32 s2, s24;
	s24 =	sshrl.u32 s29, $0x3;
	s31 =	spop (v2sf)  }
0x18b: {  	(v2sf) =	vpush v0, $0xB;
	[hbm4b:s23+s3] =	stream.linear.scatter [tilespmem:s9], [sflag:$0x1], $0x10, $0x38;
	[tilespmem:$0x1F430] =	vst v63  }
0x18c: {  	s22 =	sadd.s32 s30, s22;
	s21 =	sadd.s32 s31, s21;
	s26 =	spop (v2sf)  }
0x18d: {  	(v2sf) =	vpush v0, $0xC;
	[hbm4b:s28+s3] =	stream.linear.scatter [tilespmem:s9], [sflag:$0x1], $0x10, $0x38;
	[tilespmem:$0x1F430] =	vst v63  }
0x18e: {  	s22 =	sshrl.u32 s22, $0x3;
	s21 =	sshrl.u32 s21, $0x3;
	s28 =	sadd.s32 s2, s24  }
0x18f: {  	(v2sf) =	vpush v0, $0xD;
	[hbm4b:s28+s3] =	stream.linear.scatter [tilespmem:s9], [sflag:$0x1], $0x10, $0x38;
	[tilespmem:$0x1F430] =	vst v63  }
0x190: {  	s20 =	sadd.s32 s26, s20;
	s22 =	sadd.s32 s2, s22;
	s29 =	spop (v2sf)  }
0x191: {  	[hbm4b:s22+s3] =	stream.linear.scatter [tilespmem:s9], [sflag:$0x1], $0x10, $0x38;
	[tilespmem:$0x1F430] =	vst v63  }
0x192: {  	s20 =	sshrl.u32 s20, $0x3;
	s21 =	sadd.s32 s2, s21;
	s19 =	sadd.s32 s29, s19  }
0x193: {  	(v2sf) =	vpush v0, $0xE;
	[hbm4b:s21+s3] =	stream.linear.scatter [tilespmem:s9], [sflag:$0x1], $0x10, $0x38;
	[tilespmem:$0x1F430] =	vst v63  }
0x194: {  	s20 =	sadd.s32 s2, s20;
	s19 =	sshrl.u32 s19, $0x3;
	s30 =	spop (v2sf)  }
0x195: {  	(v2sf) =	vpush v0, $0xF;
	[hbm4b:s20+s3] =	stream.linear.scatter [tilespmem:s9], [sflag:$0x1], $0x10, $0x38;
	[tilespmem:$0x1F430] =	vst v63  }
0x196: {  	s19 =	sadd.s32 s2, s19;
	s31 =	sadd.s32 s7, s30;
	s23 =	spop (v2sf)  }
0x197: {  	[hbm4b:s19+s3] =	stream.linear.scatter [tilespmem:s9], [sflag:$0x1], $0x10, $0x38;
	[tilespmem:$0x1F430] =	vst v63  }
0x198: {  	s22 =	sshrl.u32 s31, $0x3;
	s18 =	sadd.s32 s23, s18;
	s25 =	spop (v2sf)  }
0x199: {  	s24 =	sadd.s32 s2, s22;
	s18 =	sshrl.u32 s18, $0x3;
	s17 =	sadd.s32 s25, s17  }
0x19a: {  	s26 =	spop (v2sf);
	s18 =	sadd.s32 s2, s18;
	s17 =	sshrl.u32 s17, $0x3  }
0x19b: {  	[hbm4b:s24+s3] =	stream.linear.scatter [tilespmem:s9], [sflag:$0x1], $0x10, $0x38;
	[tilespmem:$0x1F430] =	vst v63  }
0x19c: {  	s16 =	sadd.s32 s26, s16;
	s17 =	sadd.s32 s2, s17;
	s28 =	spop (v2sf)  }
0x19d: {  	[hbm4b:s18+s3] =	stream.linear.scatter [tilespmem:s9], [sflag:$0x1], $0x10, $0x38;
	[tilespmem:$0x1F430] =	vst v63  }
0x19e: {  	s16 =	sshrl.u32 s16, $0x3;
	s15 =	sadd.s32 s28, s15;
	s29 =	spop (v2sf)  }
0x19f: {  	[hbm4b:s17+s3] =	stream.linear.scatter [tilespmem:s9], [sflag:$0x1], $0x10, $0x38;
	[tilespmem:$0x1F430] =	vst v63  }
0x1a0: {  	s16 =	sadd.s32 s2, s16;
	s15 =	sshrl.u32 s15, $0x3;
	s14 =	sadd.s32 s29, s14  }
0x1a1: {  	[hbm4b:s16+s3] =	stream.linear.scatter [tilespmem:s9], [sflag:$0x1], $0x10, $0x38;
	[tilespmem:$0x1F430] =	vst v63  }
0x1a2: {  	s30 =	spop (v2sf);
	s15 =	sadd.s32 s2, s15;
	s14 =	sshrl.u32 s14, $0x3  }
0x1a3: {  	[hbm4b:s15+s3] =	stream.linear.scatter [tilespmem:s9], [sflag:$0x1], $0x10, $0x38;
	[tilespmem:$0x1F430] =	vst v63  }
0x1a4: {  	s13 =	sadd.s32 s30, s13;
	s14 =	sadd.s32 s2, s14;
	s31 =	spop (v2sf)  }
0x1a5: {  	[hbm4b:s14+s3] =	stream.linear.scatter [tilespmem:s9], [sflag:$0x1], $0x10, $0x38;
	[tilespmem:$0x1F430] =	vst v63  }
0x1a6: {  	s13 =	sshrl.u32 s13, $0x3;
	s12 =	sadd.s32 s31, s12  }
0x1a7: {  	s13 =	sadd.s32 s2, s13;
	s12 =	sshrl.u32 s12, $0x3  }
0x1a8: {  	[hbm4b:s13+s3] =	stream.linear.scatter [tilespmem:s9], [sflag:$0x1], $0x10, $0x38;
	[tilespmem:$0x1F430] =	vst v63  }
0x1a9: {  	s12 =	sadd.s32 s2, s12  }
0x1aa: {  	[hbm4b:s12+s3] =	stream.linear.scatter [tilespmem:s9], [sflag:$0x1], $0x10, $0x38;
	[tilespmem:$0x1F430] =	vst v63  }
0x1ab: {  	_ =	swait.ge [sflag:s10], $0x10  }
0x1ac: {  	[sflag:s10] =	ssyncset.done $0x0  }
0x1ad: {  	[sflag:s10] =	ssyncadd.s32 $0xFFFFFFF0  }
0x1ae: {  	_ =	swait.ge [sflag:s10], $0x10  }
0x1af: {  	[sflag:s10] =	ssyncset.done $0x0  }
0x1b0: {  	[sflag:s10] =	ssyncadd.s32 $0xFFFFFFF0  }
0x1b1: {  	_ =	swait.ge [sflag:s10], $0x10  }
0x1b2: {  	[sflag:s10] =	ssyncset.done $0x0  }
0x1b3: {  	[sflag:s10] =	ssyncadd.s32 $0xFFFFFFF0  }
0x1b4: {  	_ =	swait.ge [sflag:s10], $0x10  }
0x1b5: {  	[sflag:s10] =	ssyncset.done $0x0  }
0x1b6: {  	[sflag:s10] =	ssyncadd.s32 $0xFFFFFFF0  }
0x1b7: {  	_ =	swait.ge [sflag:s10], $0x10  }
0x1b8: {  	[sflag:s10] =	ssyncset.done $0x0  }
0x1b9: {  	[sflag:s10] =	ssyncadd.s32 $0xFFFFFFF0  }
0x1ba: {  	_ =	swait.ge [sflag:s10], $0x10  }
0x1bb: {  	[sflag:s10] =	ssyncset.done $0x0  }
0x1bc: {  	[sflag:s10] =	ssyncadd.s32 $0xFFFFFFF0  }
0x1bd: {  	_ =	swait.ge [sflag:s10], $0x10  }
0x1be: {  	[sflag:s10] =	ssyncset.done $0x0  }
0x1bf: {  	[sflag:s10] =	ssyncadd.s32 $0xFFFFFFF0  }
0x1c0: {  	_ =	swait.ge [sflag:s10], $0x10  }
0x1c1: {  	[sflag:s10] =	ssyncset.done $0x0  }
0x1c2: {  	[sflag:s10] =	ssyncadd.s32 $0xFFFFFFF0  }
0x1c3: {  	_ =	swait.ge [sflag:s10], $0x10  }
0x1c4: {  	[sflag:s10] =	ssyncset.done $0x0  }
0x1c5: {  	[sflag:s10] =	ssyncadd.s32 $0xFFFFFFF0  }
0x1c6: {  	_ =	swait.ge [sflag:s10], $0x10  }
0x1c7: {  	[sflag:s10] =	ssyncset.done $0x0  }
0x1c8: {  	[sflag:s10] =	ssyncadd.s32 $0xFFFFFFF0  }
0x1c9: {  	_ =	swait.ge [sflag:s10], $0x10  }
0x1ca: {  	[sflag:s10] =	ssyncset.done $0x0  }
0x1cb: {  	[sflag:s10] =	ssyncadd.s32 $0xFFFFFFF0  }
0x1cc: {  	_ =	swait.ge [sflag:s10], $0x10  }
0x1cd: {  	[sflag:s10] =	ssyncset.done $0x0  }
0x1ce: {  	[sflag:s10] =	ssyncadd.s32 $0xFFFFFFF0  }
0x1cf: {  	_ =	swait.ge [sflag:s10], $0x10  }
0x1d0: {  	[sflag:s10] =	ssyncset.done $0x0  }
0x1d1: {  	[sflag:s10] =	ssyncadd.s32 $0xFFFFFFF0  }
0x1d2: {  	_ =	swait.ge [sflag:s10], $0x10  }
0x1d3: {  	[sflag:s10] =	ssyncset.done $0x0  }
0x1d4: {  	[sflag:s10] =	ssyncadd.s32 $0xFFFFFFF0  }
0x1d5: {  	_ =	swait.ge [sflag:s10], $0x10  }
0x1d6: {  	[sflag:s10] =	ssyncset.done $0x0  }
0x1d7: {  	[sflag:s10] =	ssyncadd.s32 $0xFFFFFFF0  }
0x1d8: {  	_ =	swait.ge [sflag:s10], $0x10  }
0x1d9: {  	[sflag:s10] =	ssyncset.done $0x0  }
0x1da: {  	[sflag:s10] =	ssyncadd.s32 $0xFFFFFFF0  }
0x1db: {  	_ =	swait.ge [sflag:s10], $0x10  }
0x1dc: {  	[sflag:s10] =	ssyncset.done $0x0  }
0x1dd: {  	[sflag:s10] =	ssyncadd.s32 $0xFFFFFFF0  }
0x1de: {  	_ =	swait.ge [sflag:s10], $0x10  }
0x1df: {  	[sflag:s10] =	ssyncset.done $0x0  }
0x1e0: {  	[sflag:s10] =	ssyncadd.s32 $0xFFFFFFF0  }
0x1e1: {  	_ =	swait.ge [sflag:s10], $0x10  }
0x1e2: {  	[sflag:s10] =	ssyncset.done $0x0  }
0x1e3: {  	[sflag:s10] =	ssyncadd.s32 $0xFFFFFFF0  }
0x1e4: {  	_ =	swait.ge [sflag:s10], $0x10  }
0x1e5: {  	[sflag:s10] =	ssyncset.done $0x0  }
0x1e6: {  	[sflag:s10] =	ssyncadd.s32 $0xFFFFFFF0  }
0x1e7: {  	_ =	swait.ge [sflag:s10], $0x10  }
0x1e8: {  	[sflag:s10] =	ssyncset.done $0x0  }
0x1e9: {  	[sflag:s10] =	ssyncadd.s32 $0xFFFFFFF0  }
0x1ea: {  	_ =	swait.ge [sflag:s10], $0x10  }
0x1eb: {  	[sflag:s10] =	ssyncset.done $0x0  }
0x1ec: {  	[sflag:s10] =	ssyncadd.s32 $0xFFFFFFF0  }
0x1ed: {  	_ =	swait.ge [sflag:s10], $0x10  }
0x1ee: {  	[sflag:s10] =	ssyncset.done $0x0  }
0x1ef: {  	[sflag:s10] =	ssyncadd.s32 $0xFFFFFFF0  }
0x1f0: {  	_ =	swait.ge [sflag:s10], $0x10  }
0x1f1: {  	[sflag:s10] =	ssyncset.done $0x0  }
0x1f2: {  	[sflag:s10] =	ssyncadd.s32 $0xFFFFFFF0  }
0x1f3: {  	_ =	swait.ge [sflag:s10], $0x10  }
0x1f4: {  	[sflag:s10] =	ssyncset.done $0x0  }
0x1f5: {  	[sflag:s10] =	ssyncadd.s32 $0xFFFFFFF0  }
0x1f6: {  	_ =	swait.ge [sflag:s10], $0x10  }
0x1f7: {  	[sflag:s10] =	ssyncset.done $0x0  }
0x1f8: {  	[sflag:s10] =	ssyncadd.s32 $0xFFFFFFF0  }
0x1f9: {  	p0 =	sne.s32 s11, $0x1;
	_ =	swait.ge [sflag:s10], $0x10  }
.Ltmp1:
0x1fa: {  	[sflag:s10] =	ssyncset.done $0x0;
	(pc) =	sbr.rel @p0 .LBB2_1-.Ltmp1, $4  }
0x1fb: {  	[sflag:s10] =	ssyncadd.s32 $0xFFFFFFF0  }
0x1fc: {  	_ =	swait.ge [sflag:s10], $0x10  }
0x1fd: {  	[sflag:s10] =	ssyncset.done $0x0  }
0x1fe: {  	s11 =	sadd.s32 $0xFFFFFFFF, s11;
	[sflag:s10] =	ssyncadd.s32 $0xFFFFFFF0  }
.LBB2_2:
0x1ff: {  	_ =	swait.ge [sflag:s10], $0x10  }
0x200: {  	[sflag:s10] =	ssyncset.done $0x0  }
0x201: {  	[sflag:s10] =	ssyncadd.s32 $0xFFFFFFF0  }
0x202: {  	_ =	swait.ge [sflag:s10], $0x10  }
0x203: {  	[sflag:s10] =	ssyncset.done $0x0  }
0x204: {  	[sflag:s10] =	ssyncadd.s32 $0xFFFFFFF0  }
0x205: {  	_ =	swait.ge [sflag:s10], $0x10  }
0x206: {  	[sflag:s10] =	ssyncset.done $0x0  }
0x207: {  	[sflag:s10] =	ssyncadd.s32 $0xFFFFFFF0  }
0x208: {  	_ =	swait.ge [sflag:s10], $0x10  }
0x209: {  	[sflag:s10] =	ssyncset.done $0x0  }
0x20a: {  	[sflag:s10] =	ssyncadd.s32 $0xFFFFFFF0  }
0x20b: {  	_ =	sfence.sel $0x180000  }
0x20c: {  	[bflag:$0x0] =	sbarrier.arrive $0xFFFF  }
0x20d: {  	p0 =	sne.s32 s1, $0x0;
	_ =	strace $0x90000047  }
0x20e: {  	s0 =	sadd.s32 @!p0 $0x100000, s0;
	[bflag:$0x2] =	sbarrier.arrive $0xFFFF  }
0x20f: {  	[sflag:s0] =	ssyncadd.tile.s32 @!p0 $0x1;
	_ =	shalt  }
.Lfunc_end2:
_tile_overlayer_lowered:
.L_overlay_start_2:
0x210: {  	(tag) =	ssettag $0x2  }
0x211: {  	s0 =	rddreg [dreg:$0x0];
	s2 =	stileid.u32  }
0x212: {  	s1 =	rddreg [dreg:$0x1];
	p0 =	sne.s32 s2, $0x0  }
0x213: {  	s3 =	rddreg [dreg:$0x2];
	[bflag:$0x3] =	sbarrier.arrive $0xFFFF;
	s2 =	simm.s32 @!p0 $0x1C02  }
0x214: {  	[timem:s3], [sflag:s2] =	dma.local @!p0 [hbm:s0], s1  }
0x215: {  	s0 =	simm.s32 @!p0 $0x2  }
0x216: {  	_ =	swait.ge @!p0 [sflag:s0], s1  }
0x217: {  	s1 =	ssub.s32 @!p0 $0x0, s1;
	[sflag:s0] =	ssyncset.done @!p0 $0x0  }
0x218: {  	[sflag:s0] =	ssyncadd.s32 @!p0 s1  }
0x219: {  	[bflag:$0x3] =	sbarrier.arrive $0xFFFF  }
0x21a: {  	_ =	shalt  }

// kernel: sparse-core-data-format-call.cloned.1.call-start
scs
called_computation_lowered:
.L_overlay_start_0:
0x0: {  	s2 =	sld [smem:$0x3FD9]  }
0x1: {  	s3 =	sld [smem:$0x3FFE];
	_ =	sdelay $0x1  }
0x2: {  	s1 =	srdreg.scid  }
0x3: {  	s0 =	sand.u32 $0x1, s1  }
0x4: {  	s15 =	sshll.u32 s0, $0xA;
	s2 =	sadd.s32 s3, s2  }
0x5: {  	s2 =	sadd.s32 s2, s15  }
0x6: {  	[smem:$0x3FC0] =	sst s2  }
0x7: {  	_ = 	snop  }
0x8: {  	s2 =	sld [smem:$0x3FD0];
	_ =	sdelay $0x2  }
0x9: {  	s16 =	simm.s32 $0xA;
	s4 =	simm.s32 $0x10  }
0xa: {  	[smem:s4], [sflag:s16] =	dma.local [hbm:s2], $0x1  }
0xb: {  	_ =	swait.eq [sflag:s16], $0x1  }
0xc: {  	[sflag:s16] =	ssyncset.done $0x0  }
0xd: {  	[sflag:s16] =	ssyncadd.s32 $0xFFFFFFFF  }
0xe: {  	s17 =	sld [smem:$0x13];
	(tm) =	ssettm $0x1  }
0xf: {  	s18 =	sld [smem:$0x3FFB];
	_ =	sdelay $0x3  }
0x10: {  	_ =	strace s18  }
0x11: {  	s3 =	sld [smem:$0x3FFC];
	_ =	sdelay $0x3  }
0x12: {  	_ =	strace s3  }
0x13: {  	s3 =	sld [smem:$0x3FFD];
	_ =	sdelay $0x3  }
0x14: {  	_ =	strace s3  }
0x15: {  	_ =	strace $0x8FFFFFFF  }
0x16: {  	s19 =	sld [smem:$0x3FDB];
	_ =	sdelay $0x1  }
0x17: {  	s20 =	simm.s32 $_scs_section_size  }
0x18: {  	s5 =	simm.s32 $_size__tile_overlayer_lowered;
	s6 =	simm.s32 $_tile_overlayer_lowered  }
0x19: {  	s23 =	simm.s32 $0x1BFF;
	s22 =	sshll.u32 s6, $0x1;
	s3 =	sadd.s32 s20, s19  }
0x1a: {  	s7 =	simm.s32 $0x0;
	s21 =	sshll.u32 s5, $0x1;
	s5 =	sadd.s32 s22, s3  }
0x1b: {  	[timem:s7], [sflag:s23] =	dma.local [hbm:s5], s21  }
0x1c: {  	_ =	swait.ge [sflag:s23], s21  }
0x1d: {  	s4 =	ssub.s32 $0x0, s21;
	[sflag:s23] =	ssyncset.done $0x0  }
0x1e: {  	[sflag:s23] =	ssyncadd.s32 s4;
	_ =	sdelay $0x1  }
0x1f: {  	s24 =	simm.s32 $0x1B8B  }
0x20: {  	_ =	swait.ge [sflag:s24], $0x1  }
0x21: {  	[sflag:s24] =	ssyncset.done $0x0  }
0x22: {  	s26 =	simm.s32 $0x1B8E;
	s25 =	sld [smem:$0x3FFE];
	[sflag:s24] =	ssyncadd.s32 $0xFFFFFFFF  }
0x23: {  	s27 =	simm.s32 $execute0_lowered;
	[smem:$0x3FD2] =	sst s26  }
0x24: {  	s5 =	sshll.u32 s27, $0x1;
	_ =	strace $0x80000049;
	[dreg:$0x1] =	wrdreg $0xFFFFFFFF  }
0x25: {  	s28 =	simm.s32 $_size_execute0_lowered;
	s3 =	sadd.s32 s3, s5;
	[dreg:$0x0] =	wrdreg $0x0  }
0x26: {  	s5 =	sshll.u32 s28, $0x1;
	[dreg:$0x2] =	wrdreg s3  }
0x27: {  	[dreg:$0x3] =	wrdreg s5  }
0x28: {  	[dreg:$0x4] =	wrdreg $0xC0  }
0x29: {  	_ =	task [dreg:s7], $0x5FFFF  }
0x2a: {  	[dreg:$0x1] =	wrdreg $0xFFFFFFFF  }
0x2b: {  	[dreg:$0x0] =	wrdreg $0x60  }
0x2c: {  	[dreg:$0x2] =	wrdreg s25  }
0x2d: {  	[dreg:$0x3] =	wrdreg s17  }
0x2e: {  	[dreg:$0x4] =	wrdreg $0x9  }
0x2f: {  	_ =	task.clear_ibuf [dreg:s7], $0x5FFFF;
	_ =	strace $0x90000049  }
0x30: {  	s29 =	simm.s32 $0x9;
	_ =	strace $0x8000004B  }
0x31: {  	_ =	swait.ge [sflag:s29], $0x1  }
0x32: {  	[sflag:s29] =	ssyncadd.s32 $0xFFFFFFFF  }
0x33: {  	_ =	strace $0x9000004B  }
0x34: {  	_ =	sfence  }
0x35: {  	s30 =	sld [smem:$0x0];
	_ =	sdelay $0x2  }
0x36: {  	s31 =	sshll.u32 s1, $0xD;
	s1 =	sshrl.u32 s1, $0x2  }
0x37: {  	s3 =	sand.u32 $0x4000, s31;
	s1 =	sadd.s32 s1, s30  }
0x38: {  	s0 =	sor.u32 s3, s0;
	s1 =	sshll.u32 s1, $0x11  }
0x39: {  	s0 =	sor.u32 s1, s0  }
0x3a: {  	s0 =	sadd.s32 $0x8F2B, s0  }
0x3b: {  	[sflag:s0] =	ssyncadd.remote.s32 $0x1  }
0x3c: {  	_ =	sfence.sel $0xFFFF  }
0x3d: {  	[dreg:$0x0] =	wrdreg $0xFFFFFFFF;
	(pc) =	sbr.abs _section_cstart, $3  }
0x3e: {  	[dreg:$0x1] =	wrdreg $0xFFFFFFFF  }
0x3f: {  	_ =	task.clear_ibuf [dreg:s7], $0x2FFFF;
	_ =	strace $0x9FFFFFFF  }
0x40: {  	(tm) =	ssettm $0x7FFFFFFF  }
0x41: {  	_ =	shalt  }
tec
execute0_lowered:
.L_overlay_start_1:
0x0: {  	(tag) =	ssettag $0x1  }
0x1: {  	s0 =	stileid.u32;
	s6 =	rddreg [dreg:$0x0]  }
0x2: {  	s2 =	rddreg [dreg:$0x1];
	s5 =	srdreg.scid  }
0x3: {  	s31 =	simm.s32 $0x2;
	s13 =	simm.s32 $0x0;
	s1 =	sshll.u32 s0, $0x7  }
0x4: {  	s14 =	simm.s32 $0x0;
	s12 =	simm.s32 $0x0;
	s3 =	sand.u32 $0x380, s1  }
0x5: {  	s5 =	sshll.u32 s5, $0x4;
	s6 =	sadd.s32 $0x7600, s6;
	s4 =	ssub.s32 $0x400, s3  }
0x6: {  	s1 =	rddreg [dreg:$0x2];
	_ =	strace $0x8000004A;
	s7 =	sand.u32 $0x380, s4  }
0x7: {  	s5 =	sand.u32 $0x10, s5;
	p0 =	sne.s32 s7, $0x0;
	s7 =	simm.s32 $0x1  }
.Ltmp0:
0x8: {  	s8 =	sshrl.u32 s4, $0xA;
	s7 =	simm.s32 @!p0 $0x0;
	(pc) =	sbr.rel .LBB1_1-.Ltmp0, $4  }
0x9: {  	s9 =	sor.u32 s0, s5;
	s4 =	simm.s32 $0x1;
	s30 =	sadd.s32 s7, s8  }
0xa: {  	s11 =	smov.u32 s3;
	[sflag:s4] =	ssyncpa.u1 $0x0;
	s5 =	smul.u32 $0xFA, s30  }
0xb: {  	[sflag:s31] =	ssyncpa.u1 $0x0;
	p0 =	por $0x0, $0x0;
	s7 =	sshrl.u32 s9, $0x3  }
0xc: {  	s9 =	simm.s32 $0x2000;
	s10 =	smov.u32 s7;
	s8 =	sor.u32 $0x1, s5  }
.LBB1_4:
0xd: {  	s17 =	sand.u32 $0x780, s14;
	s13 =	sshll.u32 s13, $0xB  }
0xe: {  	s18 =	sshrl.u32 s14, $0x3;
	s31 =	sand.u32 $0x7, s14;
	s17 =	sadd.s32 s2, s17  }
0xf: {  	s18 =	sand.u32 $0xF, s18;
	s14 =	sshll.u32 s31, $0x12;
	s13 =	sadd.s32 s13, s17  }
0x10: {  	[tilespmem:s16+$0x0 ss:$0x81] =	vst.msk $0xffff, v1;
	s14 =	sor.u32 $0x400, s14;
	s13 =	sadd.s32 s18, s13  }
0x11: {  	[hbm4b:s13+s14] =	stream.strided.scatter [tilespmem:s15], [sflag:$0x2], $0x800, s9, s14, $0x20;
	[tilespmem:$0x2020] =	vst v63  }
.LBB1_5:
0x12: {  	s15 =	sadd.s32 $0x4, s10  }
0x13: {  	s13 =	sadd.s32 $0x400, s11;
	s17 =	smov.u32 s11;
	p2 =	sgt.s32 s15, $0x3E7  }
0x14: {  	s17 =	smov.u32 @p2 s13  }
0x15: {  	s15 =	smov.u32 @p2 s7;
	p2 =	sgt.s32 s17, $0x3FF  }
0x16: {  	s17 =	smov.u32 @p2 s3;
	p2 =	sne.s32 s12, s8  }
.Ltmp1:
0x17: {  	p1 =	slt.u32 s12, $0x2;
	(pc) =	sbr.rel @!p2 .LBB1_6-.Ltmp1, $4  }
0x18: {  	s16 =	simm.s32 @!p1 $0x2  }
0x19: {  	s14 =	smov.u32 s11;
	p0 =	por !p0, !p0;
	_ =	swait.ge @!p1 [sflag:s16], $0x800  }
0x1a: {  	s13 =	smov.u32 s10;
	[sflag:s16] =	ssyncset.done @!p1 $0x0;
	s10 =	smov.u32 s15  }
0x1b: {  	s12 =	sadd.s32 $0x1, s12;
	[sflag:s16] =	ssyncadd.s32 @!p1 $0xFFFFF800;
	s11 =	smov.u32 s17  }
.LBB1_1:
0x1c: {  	p1 =	sge.u32 s12, s5  }
0x1d: {  	s15 =	sand.u32 @!p1 $0x1FFFFFF, s10  }
0x1e: {  	s16 =	smulhi.u32 @!p1 $0x20C49BB, s15;
	_ =	sdelay $0x1  }
0x1f: {  	s16 =	sshrl.u32 @!p1 s16, $0x3  }
0x20: {  	s16 =	smul.u32 @!p1 $0x3E8, s16  }
0x21: {  	s17 =	sxor.u32 @!p1 $0xFFFFFFFF, s12;
	s18 =	smul.u32 @!p1 $0x3E80, s11  }
0x22: {  	s31 =	sadd.s32 $0xFFFFFFFF, s12;
	s17 =	sshll.u32 @!p1 s17, $0xB;
	s15 =	ssub.s32 @!p1 s15, s16  }
0x23: {  	s16 =	sand.u32 @!p1 $0x800, s17;
	s17 =	sadd.s32 @!p1 s6, s18;
	s15 =	sshll.u32 @!p1 s15, $0x4  }
0x24: {  	s18 =	simm.s32 @!p1 $0x1F400;
	s15 =	sadd.s32 @!p1 s15, s17;
	s17 =	simm.s32 @!p1 $0x10  }
0x25: {  	[tilespmem:s16], [sflag:$0x1] =	stream.strided.gather @!p1 [hbm4b:s15+s17], $0x800, s18, s17, $0x38;
	[tilespmem:$0x2020] =	vst v63  }
0x26: {  	p1 =	sge.u32 s31, s5  }
.Ltmp2:
0x27: {  	_ = 	snop;
	(pc) =	sbr.rel @p1 .LBB1_5-.Ltmp2, $1  }
0x28: {  	_ =	sdelay $0x3  }
0x29: {  	s15 =	simm.s32 $0x1  }
0x2a: {  	s15 =	simm.s32 @!p0 $0x0  }
0x2b: {  	s16 =	sshll.u32 s15, $0xB  }
0x2c: {  	v0 =	vmov s16;
	_ =	sdelay $0x1  }
0x2d: {  	_ =	swait.ge [sflag:s4], $0x800  }
0x2e: {  	s31 =	sand.u32 $0x1, s12;
	[sflag:s4] =	ssyncset.done $0x0  }
0x2f: {  	s18 =	simm.s32 $0x0;
	s15 =	smul.u32 $0x2040, s15;
	[sflag:s4] =	ssyncadd.s32 $0xFFFFF800  }
0x30: {  	s16 =	smul.u32 $0x2040, s31;
	v1 =	vld.idx.msk [tilespmem:v0+s18+$0x0 ss:$0x1], $0xffff;
	_ =	sdelay $0x1  }
0x31: {  	s15 =	sshrl.u32 s15, $0x2;
	s17 =	sshrl.u32 s16, $0x2  }
0x32: {  	s16 =	sor.u32 $0x1000, s15;
	s15 =	sor.u32 $0x1000, s17;
	s17 =	simm.s32 $0x40  }
.LBB1_3:
0x33: {  	s18 =	sshra.s32 s17, $0x2;
	p1 =	sne.s32 s17, $0x1FC0;
	s17 =	sadd.s32 $0x40, s17  }
.Ltmp3:
0x34: {  	[tilespmem:s16+$0x0 ss:$0x81] =	vst.msk $0xffff, v1;
	v1 =	vld.idx.msk [tilespmem:v0+s18+$0x0 ss:$0x1], $0xffff;
	(pc) =	sbr.rel @p1 .LBB1_3-.Ltmp3, $2  }
0x35: {  	_ =	sdelay $0x2  }
0x36: {  	s16 =	sadd.s32 $0x1, s16  }
.Ltmp4:
0x37: {  	_ = 	snop;
	(pc) =	sbr.rel .LBB1_4-.Ltmp4, $1  }
0x38: {  	_ =	sdelay $0x3  }
.LBB1_6:
0x39: {  	_ =	sfence.sel $0x180000  }
0x3a: {  	s2 =	simm.s32 $0x1;
	[bflag:$0x0] =	sbarrier.arrive $0xFFFF  }
0x3b: {  	s31 =	simm.s32 $0x2;
	[sflag:s2] =	ssyncpa.u1 $0x1  }
0x3c: {  	[sflag:s31] =	ssyncpa.u1 $0x1  }
0x3d: {  	p0 =	sne.s32 s0, $0x0;
	_ =	strace $0x9000004A  }
0x3e: {  	s0 =	sadd.s32 @!p0 $0x100000, s1;
	[bflag:$0x2] =	sbarrier.arrive $0xFFFF  }
0x3f: {  	[sflag:s0] =	ssyncadd.tile.s32 @!p0 $0x1;
	_ =	shalt  }
.Lfunc_end1:
_tile_overlayer_lowered:
.L_overlay_start_2:
0x40: {  	(tag) =	ssettag $0x2  }
0x41: {  	s0 =	rddreg [dreg:$0x0];
	s2 =	stileid.u32  }
0x42: {  	s1 =	rddreg [dreg:$0x1];
	p0 =	sne.s32 s2, $0x0  }
0x43: {  	s3 =	rddreg [dreg:$0x2];
	[bflag:$0x3] =	sbarrier.arrive $0xFFFF;
	s2 =	simm.s32 @!p0 $0x1C01  }
0x44: {  	[timem:s3], [sflag:s2] =	dma.local @!p0 [hbm:s0], s1  }
0x45: {  	s0 =	simm.s32 @!p0 $0x1  }
0x46: {  	_ =	swait.ge @!p0 [sflag:s0], s1  }
0x47: {  	s1 =	ssub.s32 @!p0 $0x0, s1;
	[sflag:s0] =	ssyncset.done @!p0 $0x0  }
0x48: {  	[sflag:s0] =	ssyncadd.s32 @!p0 s1  }
0x49: {  	[bflag:$0x3] =	sbarrier.arrive $0xFFFF  }
0x4a: {  	_ =	shalt  }

</sc_bundles>
